<compile_context>
chip_gen: v7x
topology: tpu7x:2x2x1
jax: 0.10.2.dev20260603
libtpu: 0.0.44.dev20260713+nightly
codegen_flags: <defaults>
</compile_context>

<pallas_src>
import functools

import jax
import jax.numpy as jnp
from jax.experimental import pallas as pl
from jax.experimental.pallas import tpu as pltpu

F32 = jnp.float32
BF16 = jnp.bfloat16
H = 16
TILE = 256


def _qkv_kernel(x_ref, wq_ref, wk_ref, wv_ref, b_ref, q_ref, k_ref, v_ref):
    x = x_ref[...]
    D = x.shape[1]
    q_ref[...] = jnp.dot(x, wq_ref[...], preferred_element_type=F32) + b_ref[0, :D]
    k_ref[...] = jnp.dot(x, wk_ref[...], preferred_element_type=F32) + b_ref[0, D:2 * D]
    v_ref[...] = jnp.dot(x, wv_ref[...], preferred_element_type=F32) + b_ref[0, 2 * D:]


def _attn_kernel(q_ref, k_ref, v_ref, w1f_ref, w2f_ref,
                 o_ref, w1b_ref, w2b_ref, *, blk_q, blk_k, dh, sm_scale):
    i = pl.program_id(1)

    w1b_ref[...] = w1f_ref[...].astype(BF16)
    w2b_ref[...] = w2f_ref[...].astype(BF16)

    for half in range(q_ref.shape[1] // dh):
        lo = half * dh
        q = q_ref[:, lo:lo + dh] * sm_scale
        row = i * blk_q + jax.lax.broadcasted_iota(jnp.int32, (blk_q, blk_k), 0)

        def body(kb, carry):
            m, l, acc = carry
            kblk = k_ref[pl.ds(kb * blk_k, blk_k), lo:lo + dh]
            s = jax.lax.dot_general(
                q, kblk, (((1,), (1,)), ((), ())), preferred_element_type=F32
            )
            col = kb * blk_k + jax.lax.broadcasted_iota(
                jnp.int32, (blk_q, blk_k), 1
            )
            s = jnp.where(col <= row, s, jnp.float32(-1e9))
            m2 = jnp.maximum(m, jnp.max(s, axis=1, keepdims=True))
            p = jnp.exp(s - m2)
            corr = jnp.exp(m - m2)
            l2 = l * corr + jnp.sum(p, axis=1, keepdims=True)
            vblk = v_ref[pl.ds(kb * blk_k, blk_k), lo:lo + dh]
            acc2 = acc * corr + jnp.dot(p, vblk, preferred_element_type=F32)
            return m2, l2, acc2

        nkb = ((i + 1) * blk_q + blk_k - 1) // blk_k
        m0 = jnp.full((blk_q, 1), -jnp.inf, F32)
        l0 = jnp.zeros((blk_q, 1), F32)
        a0 = jnp.zeros((blk_q, dh), F32)
        m, l, acc = jax.lax.fori_loop(0, nkb, body, (m0, l0, a0))
        o_ref[:, lo:lo + dh] = acc / l


def _wo_ln1_rt_kernel(a_ref, x_ref, wo_ref, bo_ref, g_ref, be_ref, wr_ref, br_ref,
                      x1_ref, x1b_ref, topi_ref, gates_ref, psum_ref, cnt_ref):
    step = pl.program_id(0)
    y = jnp.dot(a_ref[...], wo_ref[...], preferred_element_type=F32) + bo_ref[...]
    r = x_ref[...] + y
    mn = jnp.mean(r, axis=1, keepdims=True)
    c = r - mn
    vr = jnp.mean(c * c, axis=1, keepdims=True)
    x1 = c * jax.lax.rsqrt(vr + 1e-5) * g_ref[...] + be_ref[...]
    x1_ref[...] = x1
    x1b_ref[...] = x1.astype(BF16)

    logits = jnp.dot(x1, wr_ref[...], preferred_element_type=F32) + br_ref[...]
    E = logits.shape[1]
    v1 = jnp.max(logits, axis=1, keepdims=True)
    ee = jnp.exp(logits - v1)
    probs = ee / jnp.sum(ee, axis=1, keepdims=True)
    col = jax.lax.broadcasted_iota(jnp.int32, logits.shape, 1)
    i1 = jnp.min(jnp.where(logits == v1, col, E), axis=1, keepdims=True)
    l2 = jnp.where(col == i1, jnp.float32(-jnp.inf), logits)
    v2 = jnp.max(l2, axis=1, keepdims=True)
    i2 = jnp.min(jnp.where(l2 == v2, col, E), axis=1, keepdims=True)
    topi_ref[...] = jnp.concatenate([i1, i2], axis=1)
    e2 = jnp.exp(v2 - v1)
    g1 = 1.0 / (1.0 + e2)
    gates_ref[...] = jnp.concatenate([g1, 1.0 - g1], axis=1)

    @pl.when(step == 0)
    def _():
        psum_ref[...] = jnp.zeros_like(psum_ref)
        cnt_ref[...] = jnp.zeros_like(cnt_ref)

    psum_ref[...] += jnp.sum(probs, axis=0, keepdims=True)
    cnt_ref[...] += jnp.sum(
        (col == i1).astype(F32) + (col == i2).astype(F32), axis=0, keepdims=True
    )


def _moe_kernel(et_ref, live_ref,
                tokc_ref, tokr_ref, gate_ref, x_ref,
                w1_ref, b1_ref, w2_ref, b2_ref,
                o_ref, xs_ref, acc_ref, *, ndfb):
    t = pl.program_id(0)
    j = pl.program_id(1)
    T = x_ref.shape[0]
    D = x_ref.shape[1]

    @pl.when((t == 0) & (j == 0))
    def _():
        o_ref[...] = jnp.zeros_like(o_ref)

    live = live_ref[t] > 0

    @pl.when(live & (j == 0))
    def _():
        P = (jax.lax.broadcasted_iota(jnp.int32, (TILE, T), 1)
             == tokc_ref[...]).astype(BF16)
        xs_ref[...] = jnp.dot(P, x_ref[...],
                              preferred_element_type=F32).astype(BF16)
        acc_ref[...] = jnp.broadcast_to(b2_ref[0], (TILE, D))

    @pl.when(live)
    def _():
        h = jnp.maximum(
            jnp.dot(xs_ref[...], w1_ref[0], preferred_element_type=F32)
            + b1_ref[0],
            0.0,
        ).astype(BF16)
        acc_ref[...] += jnp.dot(h, w2_ref[0], preferred_element_type=F32)

    @pl.when(live & (j == ndfb - 1))
    def _():
        PT = (jax.lax.broadcasted_iota(jnp.int32, (T, TILE), 0)
              == tokr_ref[0]).astype(BF16)
        ys = (acc_ref[...] * gate_ref[...]).astype(BF16)
        o_ref[...] += jnp.dot(PT, ys, preferred_element_type=F32)


def _ln2_lb_kernel(x_ref, y_ref, g_ref, be_ref, cnt_ref, psum_ref,
                   o_ref, lb_ref, *, T, K, E):
    @pl.when(pl.program_id(0) == 0)
    def _():
        f = cnt_ref[...] / jnp.float32(T * K)
        P = psum_ref[...] / jnp.float32(T)
        lb_ref[...] = jnp.full((1, 1), jnp.float32(E)) * jnp.sum(f * P)

    r = x_ref[...] + y_ref[...]
    m = jnp.mean(r, axis=1, keepdims=True)
    c = r - m
    v = jnp.mean(c * c, axis=1, keepdims=True)
    o_ref[...] = c * jax.lax.rsqrt(v + 1e-5) * g_ref[...] + be_ref[...]


def kernel(x, Wq, bq, Wk, bk, Wv, bv, Wo, bo, g1, be1, g2, be2, Wr, br, W1, b1, W2, b2):
    B, S, D = x.shape
    T = B * S
    E = Wr.shape[1]
    DFF = W1.shape[2]
    dh = D // H
    K = 2
    NSLOT = T * K + E * TILE
    NTILES = NSLOT // TILE

    xf = x.reshape(T, D)
    bqkv = jnp.concatenate([bq, bk, bv]).reshape(1, 3 * D)

    blk_r = min(512, T)
    q2, k2, v2 = pl.pallas_call(
        _qkv_kernel,
        grid=(T // blk_r,),
        in_specs=[
            pl.BlockSpec((blk_r, D), lambda i: (i, 0)),
            pl.BlockSpec((D, D), lambda i: (0, 0)),
            pl.BlockSpec((D, D), lambda i: (0, 0)),
            pl.BlockSpec((D, D), lambda i: (0, 0)),
            pl.BlockSpec((1, 3 * D), lambda i: (0, 0)),
        ],
        out_specs=[
            pl.BlockSpec((blk_r, D), lambda i: (i, 0)),
            pl.BlockSpec((blk_r, D), lambda i: (i, 0)),
            pl.BlockSpec((blk_r, D), lambda i: (i, 0)),
        ],
        out_shape=[jax.ShapeDtypeStruct((T, D), F32)] * 3,
    )(xf, Wq, Wk, Wv, bqkv)

    blk_q = min(512, S)
    blk_k = min(512, S)
    hcols = 2 * dh
    nq = S // blk_q
    nsteps = (D // hcols) * nq
    CH1 = E * D // nsteps
    CH2 = E * DFF // nsteps
    attn, W1b, W2b = pl.pallas_call(
        functools.partial(_attn_kernel, blk_q=blk_q, blk_k=blk_k, dh=dh,
                          sm_scale=1.0 / (dh ** 0.5)),
        grid=(D // hcols, nq),
        in_specs=[
            pl.BlockSpec((blk_q, hcols), lambda h, i: (i, h)),
            pl.BlockSpec((S, hcols), lambda h, i: (0, h)),
            pl.BlockSpec((S, hcols), lambda h, i: (0, h)),
            pl.BlockSpec((CH1, DFF), lambda h, i: (h * nq + i, 0)),
            pl.BlockSpec((CH2, D), lambda h, i: (h * nq + i, 0)),
        ],
        out_specs=[
            pl.BlockSpec((blk_q, hcols), lambda h, i: (i, h)),
            pl.BlockSpec((CH1, DFF), lambda h, i: (h * nq + i, 0)),
            pl.BlockSpec((CH2, D), lambda h, i: (h * nq + i, 0)),
        ],
        out_shape=[
            jax.ShapeDtypeStruct((T, D), F32),
            jax.ShapeDtypeStruct((E * D, DFF), BF16),
            jax.ShapeDtypeStruct((E * DFF, D), BF16),
        ],
    )(q2, k2, v2, W1.reshape(E * D, DFF), W2.reshape(E * DFF, D))

    x1, x1b, topi, gates, psum, counts = pl.pallas_call(
        _wo_ln1_rt_kernel,
        grid=(T // blk_r,),
        in_specs=[
            pl.BlockSpec((blk_r, D), lambda i: (i, 0)),
            pl.BlockSpec((blk_r, D), lambda i: (i, 0)),
            pl.BlockSpec((D, D), lambda i: (0, 0)),
            pl.BlockSpec((1, D), lambda i: (0, 0)),
            pl.BlockSpec((1, D), lambda i: (0, 0)),
            pl.BlockSpec((1, D), lambda i: (0, 0)),
            pl.BlockSpec((D, E), lambda i: (0, 0)),
            pl.BlockSpec((1, E), lambda i: (0, 0)),
        ],
        out_specs=[
            pl.BlockSpec((blk_r, D), lambda i: (i, 0)),
            pl.BlockSpec((blk_r, D), lambda i: (i, 0)),
            pl.BlockSpec((blk_r, K), lambda i: (i, 0)),
            pl.BlockSpec((blk_r, K), lambda i: (i, 0)),
            pl.BlockSpec((1, E), lambda i: (0, 0)),
            pl.BlockSpec((1, E), lambda i: (0, 0)),
        ],
        out_shape=[
            jax.ShapeDtypeStruct((T, D), F32),
            jax.ShapeDtypeStruct((T, D), BF16),
            jax.ShapeDtypeStruct((T, K), jnp.int32),
            jax.ShapeDtypeStruct((T, K), F32),
            jax.ShapeDtypeStruct((1, E), F32),
            jax.ShapeDtypeStruct((1, E), F32),
        ],
    )(attn, xf, Wo, bo.reshape(1, D), g1.reshape(1, D), be1.reshape(1, D),
      Wr, br.reshape(1, E))

    flat_e = topi.reshape(-1)
    flat_t = (jnp.arange(T * K, dtype=jnp.int32) // K)
    flat_g = gates.reshape(-1)
    onehot = (flat_e[:, None] == jnp.arange(E, dtype=jnp.int32)[None, :])
    rank = (jnp.cumsum(onehot.astype(jnp.int32), axis=0) - 1)[
        jnp.arange(T * K), flat_e
    ]
    sizes = counts[0].astype(jnp.int32)
    psize = ((sizes + TILE - 1) // TILE) * TILE
    pend = jnp.cumsum(psize).astype(jnp.int32)
    poff = pend - psize
    dest = poff[flat_e] + rank
    slot_tok = jnp.zeros((NSLOT,), jnp.int32).at[dest].set(flat_t)
    slot_gate = jnp.zeros((NSLOT, 1), F32).at[dest, 0].set(flat_g)
    tile_start = jnp.arange(NTILES, dtype=jnp.int32) * TILE
    e_of_tile = jnp.minimum(
        jnp.searchsorted(pend, tile_start, side="right").astype(jnp.int32), E - 1
    )
    live = (tile_start < pend[-1]).astype(jnp.int32)

    DFBG = min(4096, DFF)
    NDFB = DFF // DFBG
    moe = pl.pallas_call(
        functools.partial(_moe_kernel, ndfb=NDFB),
        grid_spec=pltpu.PrefetchScalarGridSpec(
            num_scalar_prefetch=2,
            grid=(NTILES, NDFB),
            in_specs=[
                pl.BlockSpec((TILE, 1), lambda t, j, et, lv: (t, 0)),
                pl.BlockSpec((1, 1, TILE), lambda t, j, et, lv: (t, 0, 0)),
                pl.BlockSpec((TILE, 1), lambda t, j, et, lv: (t, 0)),
                pl.BlockSpec((T, D), lambda t, j, et, lv: (0, 0)),
                pl.BlockSpec((1, D, DFBG), lambda t, j, et, lv: (et[t], 0, j)),
                pl.BlockSpec((1, 1, DFBG), lambda t, j, et, lv: (et[t], 0, j)),
                pl.BlockSpec((1, DFBG, D), lambda t, j, et, lv: (et[t], j, 0)),
                pl.BlockSpec((1, 1, D), lambda t, j, et, lv: (et[t], 0, 0)),
            ],
            out_specs=pl.BlockSpec((T, D), lambda t, j, et, lv: (0, 0)),
            scratch_shapes=[
                pltpu.VMEM((TILE, D), BF16),
                pltpu.VMEM((TILE, D), F32),
            ],
        ),
        out_shape=jax.ShapeDtypeStruct((T, D), F32),
        compiler_params=pltpu.CompilerParams(
            vmem_limit_bytes=60 * 1024 * 1024,
        ),
    )(e_of_tile, live,
      slot_tok.reshape(NSLOT, 1), slot_tok.reshape(NTILES, 1, TILE),
      slot_gate, x1b,
      W1b.reshape(E, D, DFF), b1.reshape(E, 1, DFF),
      W2b.reshape(E, DFF, D), b2.reshape(E, 1, D))

    x2, lb = pl.pallas_call(
        functools.partial(_ln2_lb_kernel, T=T, K=K, E=E),
        grid=(T // blk_r,),
        in_specs=[
            pl.BlockSpec((blk_r, D), lambda i: (i, 0)),
            pl.BlockSpec((blk_r, D), lambda i: (i, 0)),
            pl.BlockSpec((1, D), lambda i: (0, 0)),
            pl.BlockSpec((1, D), lambda i: (0, 0)),
            pl.BlockSpec((1, E), lambda i: (0, 0)),
            pl.BlockSpec((1, E), lambda i: (0, 0)),
        ],
        out_specs=[
            pl.BlockSpec((blk_r, D), lambda i: (i, 0)),
            pl.BlockSpec((1, 1), lambda i: (0, 0)),
        ],
        out_shape=[
            jax.ShapeDtypeStruct((T, D), F32),
            jax.ShapeDtypeStruct((1, 1), F32),
        ],
    )(x1, moe, g2.reshape(1, D), be2.reshape(1, D), counts, psum)

    return (x2.reshape(B, S, D), lb[0, 0])

# --- scband reference (transcript-rebuilt; emitter-appended) ---
"""Pipeline reference for scband-block-45715631898858 (READ-ONLY COPY).

The authoritative reference and input builder live on the scoring server;
editing this copy changes nothing except your own understanding.
"""

import jax, jax.numpy as jnp
import numpy as np

B, S, D, H = 1, 2048, 1024, 16
E, K, DFF = 8, 2, 4096


def setup_inputs(seed: int = 0):
    key = jax.random.key(seed)
    ks = jax.random.split(key, 12)
    def init(k, shape):
        return jax.random.normal(k, shape, dtype=jnp.float32) * 0.02
    return {
        "x": jax.random.normal(ks[0], (B, S, D), dtype=jnp.float32),
        "Wq": init(ks[1], (D, D)), "bq": jnp.zeros((D,), jnp.float32),
        "Wk": init(ks[2], (D, D)), "bk": jnp.zeros((D,), jnp.float32),
        "Wv": init(ks[3], (D, D)), "bv": jnp.zeros((D,), jnp.float32),
        "Wo": init(ks[4], (D, D)), "bo": jnp.zeros((D,), jnp.float32),
        "g1": jnp.ones((D,), jnp.float32), "be1": jnp.zeros((D,), jnp.float32),
        "g2": jnp.ones((D,), jnp.float32), "be2": jnp.zeros((D,), jnp.float32),
        "Wr": init(ks[5], (D, E)), "br": jnp.zeros((E,), jnp.float32),
        "W1": init(ks[6], (E, D, DFF)), "b1": jnp.zeros((E, DFF), jnp.float32),
        "W2": init(ks[7], (E, DFF, D)), "b2": jnp.zeros((E, D), jnp.float32),
    }


def _layernorm(x, g, b):
    m = jnp.mean(x, axis=-1, keepdims=True)
    v = jnp.var(x, axis=-1, keepdims=True)
    return (x - m) / jnp.sqrt(v + 1e-5) * g + b


def reference(x, Wq, bq, Wk, bk, Wv, bv, Wo, bo, g1, be1, g2, be2, Wr, br, W1, b1, W2, b2):
    Bb, Ss, Dd = x.shape
    dh = Dd // H
    def heads(t):
        return t.reshape(Bb, Ss, H, dh).transpose(0, 2, 1, 3)
    q = heads(x @ Wq + bq)
    k = heads(x @ Wk + bk)
    v = heads(x @ Wv + bv)
    scores = jnp.einsum('bhqd,bhkd->bhqk', q, k) / jnp.sqrt(jnp.float32(dh))
    causal = jnp.tril(jnp.ones((Ss, Ss), dtype=bool))
    scores = jnp.where(causal[None, None], scores, jnp.float32(-1e9))
    attn = jax.nn.softmax(scores, axis=-1)
    mha = jnp.einsum('bhqk,bhkd->bhqd', attn, v).transpose(0, 2, 1, 3).reshape(Bb, Ss, Dd) @ Wo + bo
    x1 = _layernorm(x + mha, g1, be1)
    flat = x1.reshape(-1, Dd)
    T = flat.shape[0]
    logits = flat @ Wr + br
    probs = jax.nn.softmax(logits, axis=-1)
    topv, topi = jax.lax.top_k(logits, K)
    sparse_logits = jnp.full((T, E), -1e9, jnp.float32).at[jnp.arange(T)[:, None], topi].set(topv)
    gates = jax.nn.softmax(sparse_logits, axis=-1)
    out = jnp.zeros_like(flat)
    for e in range(E):
        h = jax.nn.relu(flat @ W1[e] + b1[e])
        out = out + gates[:, e:e + 1] * (h @ W2[e] + b2[e])
    counts = jnp.zeros((E,), jnp.float32).at[topi.reshape(-1)].add(1.0)
    f = counts / jnp.float32(T * K)
    P = jnp.mean(probs, axis=0)
    lb_loss = jnp.float32(E) * jnp.sum(f * P)
    x2 = _layernorm(x1 + out.reshape(Bb, Ss, Dd), g2, be2)
    return (x2, lb_loss)

if __name__ == "__main__":
    import jax
    _d = setup_inputs()
    print(jax.jit(kernel)(*tuple(_d.values())))

</pallas_src>

<mosaic_0001>
module attributes {stable_mosaic.version = 14 : i64} {
  func.func @_qkv_kernel(%arg0: i32, %arg1: memref<512x1024xf32, #tpu.memory_space<vmem>>, %arg2: memref<1024x1024xf32, #tpu.memory_space<vmem>>, %arg3: memref<1024x1024xf32, #tpu.memory_space<vmem>>, %arg4: memref<1024x1024xf32, #tpu.memory_space<vmem>>, %arg5: memref<1x3072xf32, #tpu.memory_space<vmem>>, %arg6: memref<512x1024xf32, #tpu.memory_space<vmem>>, %arg7: memref<512x1024xf32, #tpu.memory_space<vmem>>, %arg8: memref<512x1024xf32, #tpu.memory_space<vmem>>) attributes {dimension_semantics = [#tpu.dimension_semantics<arbitrary>], iteration_bounds = array<i64: 4>, scalar_prefetch = 0 : i64, scratch_operands = 0 : i64, tpu.core_type = #tpu.core_type<tc>, window_params = [{transform_indices = @transform_0, window_bounds = array<i64: 512, 1024>}, {pipeline_mode = #tpu.pipeline_mode<synchronous>, transform_indices = @transform_1, window_bounds = array<i64: 1024, 1024>}, {pipeline_mode = #tpu.pipeline_mode<synchronous>, transform_indices = @transform_2, window_bounds = array<i64: 1024, 1024>}, {pipeline_mode = #tpu.pipeline_mode<synchronous>, transform_indices = @transform_3, window_bounds = array<i64: 1024, 1024>}, {pipeline_mode = #tpu.pipeline_mode<synchronous>, transform_indices = @transform_4, window_bounds = array<i64: 1, 3072>}, {transform_indices = @transform_5, window_bounds = array<i64: 512, 1024>}, {transform_indices = @transform_6, window_bounds = array<i64: 512, 1024>}, {transform_indices = @transform_7, window_bounds = array<i64: 512, 1024>}]} {
    %get3A = arith.constant 0 : index
    %get3A_0 = arith.constant 0 : index
    %get3A_1 = vector.load %arg1[%get3A, %get3A_0] : memref<512x1024xf32, #tpu.memory_space<vmem>>, vector<512x1024xf32>
    %get3A_2 = arith.constant 0 : index
    %get3A_3 = arith.constant 0 : index
    %get3A_4 = vector.load %arg2[%get3A_2, %get3A_3] : memref<1024x1024xf32, #tpu.memory_space<vmem>>, vector<1024x1024xf32>
    %dot_general3A = arith.constant dense<0.000000e+00> : vector<512x1024xf32>
    %dot_general3A_5 = tpu.matmul %get3A_1, %get3A_4, %dot_general3A {dimension_numbers = #tpu.dot_dimension_numbers<[1], [0], [0], [1], [0, 0, 1, 1], [], []>, transpose_lhs_hint = false} : vector<512x1024xf32>, vector<1024x1024xf32>, vector<512x1024xf32> -> vector<512x1024xf32>
    %get3A_6 = arith.constant 0 : index
    %get3A_7 = arith.constant 0 : index
    %get3A_8 = vector.load %arg5[%get3A_6, %get3A_7] : memref<1x3072xf32, #tpu.memory_space<vmem>>, vector<1x1024xf32>
    %get3A_9 = vector.shape_cast %get3A_8 : vector<1x1024xf32> to vector<1024xf32>
    %broadcast_in_dim3A = vector.shape_cast %get3A_9 : vector<1024xf32> to vector<1x1024xf32>
    %add3A = vector.broadcast %broadcast_in_dim3A : vector<1x1024xf32> to vector<512x1024xf32>
    %add3A_10 = arith.addf %dot_general3A_5, %add3A : vector<512x1024xf32>
    %swap3A = arith.constant 0 : index
    %swap3A_11 = arith.constant 0 : index
    %swap3A_12 = vector.load %arg6[%swap3A, %swap3A_11] : memref<512x1024xf32, #tpu.memory_space<vmem>>, vector<512x1024xf32>
    tpu.vector_store %arg6[%swap3A, %swap3A_11], %add3A_10 {strides = array<i32>} : memref<512x1024xf32, #tpu.memory_space<vmem>>, vector<512x1024xf32>,
    %get3A_13 = arith.constant 0 : index
    %get3A_14 = arith.constant 0 : index
    %get3A_15 = vector.load %arg3[%get3A_13, %get3A_14] : memref<1024x1024xf32, #tpu.memory_space<vmem>>, vector<1024x1024xf32>
    %dot_general3A_16 = arith.constant dense<0.000000e+00> : vector<512x1024xf32>
    %dot_general3A_17 = tpu.matmul %get3A_1, %get3A_15, %dot_general3A_16 {dimension_numbers = #tpu.dot_dimension_numbers<[1], [0], [0], [1], [0, 0, 1, 1], [], []>, transpose_lhs_hint = false} : vector<512x1024xf32>, vector<1024x1024xf32>, vector<512x1024xf32> -> vector<512x1024xf32>
    %get3A_18 = arith.constant 0 : index
    %get3A_19 = arith.constant 1024 : index
    %get3A_20 = vector.load %arg5[%get3A_18, %get3A_19] : memref<1x3072xf32, #tpu.memory_space<vmem>>, vector<1x1024xf32>
    %get3A_21 = vector.shape_cast %get3A_20 : vector<1x1024xf32> to vector<1024xf32>
    %broadcast_in_dim3A_22 = vector.shape_cast %get3A_21 : vector<1024xf32> to vector<1x1024xf32>
    %add3A_23 = vector.broadcast %broadcast_in_dim3A_22 : vector<1x1024xf32> to vector<512x1024xf32>
    %add3A_24 = arith.addf %dot_general3A_17, %add3A_23 : vector<512x1024xf32>
    %swap3A_25 = arith.constant 0 : index
    %swap3A_26 = arith.constant 0 : index
    %swap3A_27 = vector.load %arg7[%swap3A_25, %swap3A_26] : memref<512x1024xf32, #tpu.memory_space<vmem>>, vector<512x1024xf32>
    tpu.vector_store %arg7[%swap3A_25, %swap3A_26], %add3A_24 {strides = array<i32>} : memref<512x1024xf32, #tpu.memory_space<vmem>>, vector<512x1024xf32>,
    %get3A_28 = arith.constant 0 : index
    %get3A_29 = arith.constant 0 : index
    %get3A_30 = vector.load %arg4[%get3A_28, %get3A_29] : memref<1024x1024xf32, #tpu.memory_space<vmem>>, vector<1024x1024xf32>
    %dot_general3A_31 = arith.constant dense<0.000000e+00> : vector<512x1024xf32>
    %dot_general3A_32 = tpu.matmul %get3A_1, %get3A_30, %dot_general3A_31 {dimension_numbers = #tpu.dot_dimension_numbers<[1], [0], [0], [1], [0, 0, 1, 1], [], []>, transpose_lhs_hint = false} : vector<512x1024xf32>, vector<1024x1024xf32>, vector<512x1024xf32> -> vector<512x1024xf32>
    %get3A_33 = arith.constant 0 : index
    %get3A_34 = arith.constant 2048 : index
    %get3A_35 = vector.load %arg5[%get3A_33, %get3A_34] : memref<1x3072xf32, #tpu.memory_space<vmem>>, vector<1x1024xf32>
    %get3A_36 = vector.shape_cast %get3A_35 : vector<1x1024xf32> to vector<1024xf32>
    %broadcast_in_dim3A_37 = vector.shape_cast %get3A_36 : vector<1024xf32> to vector<1x1024xf32>
    %add3A_38 = vector.broadcast %broadcast_in_dim3A_37 : vector<1x1024xf32> to vector<512x1024xf32>
    %add3A_39 = arith.addf %dot_general3A_32, %add3A_38 : vector<512x1024xf32>
    %swap3A_40 = arith.constant 0 : index
    %swap3A_41 = arith.constant 0 : index
    %swap3A_42 = vector.load %arg8[%swap3A_40, %swap3A_41] : memref<512x1024xf32, #tpu.memory_space<vmem>>, vector<512x1024xf32>
    tpu.vector_store %arg8[%swap3A_40, %swap3A_41], %add3A_39 {strides = array<i32>} : memref<512x1024xf32, #tpu.memory_space<vmem>>, vector<512x1024xf32>,
    return
  }
  func.func @transform_0(%arg0: i32) -> (i32, i32) {
    %c0_i32 = arith.constant 0 : i32
    %c0_i32_0 = arith.constant 0 : i32
    return %arg0, %c0_i32 : i32, i32
  }
  func.func @transform_1(%arg0: i32) -> (i32, i32) {
    %c0_i32 = arith.constant 0 : i32
    %c0_i32_0 = arith.constant 0 : i32
    %c0_i32_1 = arith.constant 0 : i32
    return %c0_i32, %c0_i32_0 : i32, i32
  }
  func.func @transform_2(%arg0: i32) -> (i32, i32) {
    %c0_i32 = arith.constant 0 : i32
    %c0_i32_0 = arith.constant 0 : i32
    %c0_i32_1 = arith.constant 0 : i32
    return %c0_i32, %c0_i32_0 : i32, i32
  }
  func.func @transform_3(%arg0: i32) -> (i32, i32) {
    %c0_i32 = arith.constant 0 : i32
    %c0_i32_0 = arith.constant 0 : i32
    %c0_i32_1 = arith.constant 0 : i32
    return %c0_i32, %c0_i32_0 : i32, i32
  }
  func.func @transform_4(%arg0: i32) -> (i32, i32) {
    %c0_i32 = arith.constant 0 : i32
    %c0_i32_0 = arith.constant 0 : i32
    %c0_i32_1 = arith.constant 0 : i32
    return %c0_i32, %c0_i32_0 : i32, i32
  }
  func.func @transform_5(%arg0: i32) -> (i32, i32) {
    %c0_i32 = arith.constant 0 : i32
    %c0_i32_0 = arith.constant 0 : i32
    return %arg0, %c0_i32 : i32, i32
  }
  func.func @transform_6(%arg0: i32) -> (i32, i32) {
    %c0_i32 = arith.constant 0 : i32
    %c0_i32_0 = arith.constant 0 : i32
    return %arg0, %c0_i32 : i32, i32
  }
  func.func @transform_7(%arg0: i32) -> (i32, i32) {
    %c0_i32 = arith.constant 0 : i32
    %c0_i32_0 = arith.constant 0 : i32
    return %arg0, %c0_i32 : i32, i32
  }
}

module attributes {stable_mosaic.version = 14 : i64} {
  func.func @_attn_kernel(%arg0: i32, %arg1: i32, %arg2: memref<512x128xf32, #tpu.memory_space<vmem>>, %arg3: memref<2048x128xf32, #tpu.memory_space<vmem>>, %arg4: memref<2048x128xf32, #tpu.memory_space<vmem>>, %arg5: memref<256x4096xf32, #tpu.memory_space<vmem>>, %arg6: memref<1024x1024xf32, #tpu.memory_space<vmem>>, %arg7: memref<512x128xf32, #tpu.memory_space<vmem>>, %arg8: memref<256x4096xbf16, #tpu.memory_space<vmem>>, %arg9: memref<1024x1024xbf16, #tpu.memory_space<vmem>>) attributes {dimension_semantics = [#tpu.dimension_semantics<arbitrary>, #tpu.dimension_semantics<arbitrary>], iteration_bounds = array<i64: 8, 4>, scalar_prefetch = 0 : i64, scratch_operands = 0 : i64, tpu.core_type = #tpu.core_type<tc>, window_params = [{transform_indices = @transform_0, window_bounds = array<i64: 512, 128>}, {transform_indices = @transform_1, window_bounds = array<i64: 2048, 128>}, {transform_indices = @transform_2, window_bounds = array<i64: 2048, 128>}, {transform_indices = @transform_3, window_bounds = array<i64: 256, 4096>}, {transform_indices = @transform_4, window_bounds = array<i64: 1024, 1024>}, {transform_indices = @transform_5, window_bounds = array<i64: 512, 128>}, {transform_indices = @transform_6, window_bounds = array<i64: 256, 4096>}, {transform_indices = @transform_7, window_bounds = array<i64: 1024, 1024>}]} {
    %get3A = arith.constant 0 : index
    %get3A_0 = arith.constant 0 : index
    %get3A_1 = vector.load %arg5[%get3A, %get3A_0] : memref<256x4096xf32, #tpu.memory_space<vmem>>, vector<256x4096xf32>
    %convert_element_type3A = arith.truncf %get3A_1 : vector<256x4096xf32> to vector<256x4096xbf16>
    %swap3A = arith.constant 0 : index
    %swap3A_2 = arith.constant 0 : index
    %swap3A_3 = vector.load %arg8[%swap3A, %swap3A_2] : memref<256x4096xbf16, #tpu.memory_space<vmem>>, vector<256x4096xbf16>
    tpu.vector_store %arg8[%swap3A, %swap3A_2], %convert_element_type3A {strides = array<i32>} : memref<256x4096xbf16, #tpu.memory_space<vmem>>, vector<256x4096xbf16>,
    %get3A_4 = arith.constant 0 : index
    %get3A_5 = arith.constant 0 : index
    %get3A_6 = vector.load %arg6[%get3A_4, %get3A_5] : memref<1024x1024xf32, #tpu.memory_space<vmem>>, vector<1024x1024xf32>
    %convert_element_type3A_7 = arith.truncf %get3A_6 : vector<1024x1024xf32> to vector<1024x1024xbf16>
    %swap3A_8 = arith.constant 0 : index
    %swap3A_9 = arith.constant 0 : index
    %swap3A_10 = vector.load %arg9[%swap3A_8, %swap3A_9] : memref<1024x1024xbf16, #tpu.memory_space<vmem>>, vector<1024x1024xbf16>
    tpu.vector_store %arg9[%swap3A_8, %swap3A_9], %convert_element_type3A_7 {strides = array<i32>} : memref<1024x1024xbf16, #tpu.memory_space<vmem>>, vector<1024x1024xbf16>,
    %get3A_11 = arith.constant 0 : index
    %get3A_12 = arith.constant 0 : index
    %get3A_13 = vector.load %arg2[%get3A_11, %get3A_12] : memref<512x128xf32, #tpu.memory_space<vmem>>, vector<512x64xf32>
    %mul3A = arith.constant 1.250000e-01 : f32
    %mul3A_14 = vector.broadcast %mul3A : f32 to vector<512x64xf32>
    %mul3A_15 = arith.mulf %get3A_13, %mul3A_14 : vector<512x64xf32>
    %mul3A_16 = arith.constant 512 : i32
    %mul3A_17 = arith.muli %arg1, %mul3A_16 : i32
    %iota3A = tpu.iota {dimensions = array<i32: 0>} : vector<512x512xi32>
    %add3A = vector.broadcast %mul3A_17 : i32 to vector<512x512xi32>
    %add3A_18 = arith.addi %add3A, %iota3A : vector<512x512xi32>
    %add3A_19 = arith.constant 1 : i32
    %add3A_20 = arith.addi %arg1, %add3A_19 : i32
    %mul3A_21 = arith.constant 512 : i32
    %mul3A_22 = arith.muli %add3A_20, %mul3A_21 : i32
    %add3A_23 = arith.constant 512 : i32
    %add3A_24 = arith.addi %mul3A_22, %add3A_23 : i32
    %sub3A = arith.constant 1 : i32
    %sub3A_25 = arith.subi %add3A_24, %sub3A : i32
    %jit3A = arith.constant 512 : i32
    %div3A = arith.divsi %sub3A_25, %jit3A : i32
    %sign3A = arith.constant 0 : i32
    %sign3A_26 = arith.cmpi sgt, %sub3A_25, %sign3A : i32
    %sign3A_27 = arith.extui %sign3A_26 : i1 to i32
    %sign3A_28 = arith.constant 0 : i32
    %sign3A_29 = arith.cmpi slt, %sub3A_25, %sign3A_28 : i32
    %sign3A_30 = arith.extui %sign3A_29 : i1 to i32
    %sign3A_31 = arith.subi %sign3A_27, %sign3A_30 : i32
    %sign3A_32 = arith.constant 0 : i32
    %sign3A_33 = arith.cmpi sgt, %jit3A, %sign3A_32 : i32
    %sign3A_34 = arith.extui %sign3A_33 : i1 to i32
    %sign3A_35 = arith.constant 0 : i32
    %sign3A_36 = arith.cmpi slt, %jit3A, %sign3A_35 : i32
    %sign3A_37 = arith.extui %sign3A_36 : i1 to i32
    %sign3A_38 = arith.subi %sign3A_34, %sign3A_37 : i32
    %ne3A = arith.cmpi ne, %sign3A_31, %sign3A_38 : i32
    %rem3A = arith.remsi %sub3A_25, %jit3A : i32
    %ne3A_39 = arith.constant 0 : i32
    %ne3A_40 = arith.cmpi ne, %rem3A, %ne3A_39 : i32
    %and3A = arith.andi %ne3A, %ne3A_40 : i1
    %sub3A_41 = arith.constant 1 : i32
    %sub3A_42 = arith.subi %div3A, %sub3A_41 : i32
    %select_n3A = arith.select %and3A, %sub3A_42, %div3A : i32
    %broadcast_in_dim3A = arith.constant 0xFF800000 : f32
    %broadcast_in_dim3A_43 = vector.broadcast %broadcast_in_dim3A : f32 to vector<512x1xf32>
    %broadcast_in_dim3A_44 = arith.constant 0.000000e+00 : f32
    %broadcast_in_dim3A_45 = vector.broadcast %broadcast_in_dim3A_44 : f32 to vector<512x1xf32>
    %broadcast_in_dim3A_46 = arith.constant 0.000000e+00 : f32
    %broadcast_in_dim3A_47 = vector.broadcast %broadcast_in_dim3A_46 : f32 to vector<512x64xf32>
    %while3A = arith.constant 0 : i32
    %while3A_48 = arith.subi %select_n3A, %while3A : i32
    %while3A_49 = arith.addi %while3A, %while3A_48 : i32
    %while3A_50 = arith.constant 1 : i32
    %while3A_51 = arith.divsi %while3A_48, %while3A_50 : i32
    %while3A_52 = arith.muli %while3A_51, %while3A_50 : i32
    %while3A_53 = arith.addi %while3A, %while3A_52 : i32
    %while3A_54 = arith.constant 1 : i32
    %while3A_55:3 = scf.for %while3A_128 = %while3A to %while3A_53 step %while3A_54 iter_args(%while3A_129 = %broadcast_in_dim3A_43, %while3A_130 = %broadcast_in_dim3A_45, %while3A_131 = %broadcast_in_dim3A_47) -> (vector<512x1xf32>, vector<512x1xf32>, vector<512x64xf32>)  : i32 {
      %mul3A_132 = arith.constant 512 : i32
      %mul3A_133 = arith.muli %while3A_128, %mul3A_132 : i32
      %get3A_134 = arith.index_cast %mul3A_133 : i32 to index
      %get3A_135 = arith.constant 0 : index
      %get3A_136 = vector.load %arg3[%get3A_134, %get3A_135] : memref<2048x128xf32, #tpu.memory_space<vmem>>, vector<512x64xf32>
      %dot_general3A = arith.constant dense<0.000000e+00> : vector<512x512xf32>
      %dot_general3A_137 = tpu.matmul %mul3A_15, %get3A_136, %dot_general3A {dimension_numbers = #tpu.dot_dimension_numbers<[1], [1], [0], [0], [0, 0, 1, 0], [], []>, transpose_lhs_hint = false} : vector<512x64xf32>, vector<512x64xf32>, vector<512x512xf32> -> vector<512x512xf32>
      %mul3A_138 = arith.constant 512 : i32
      %mul3A_139 = arith.muli %while3A_128, %mul3A_138 : i32
      %iota3A_140 = tpu.iota {dimensions = array<i32: 1>} : vector<512x512xi32>
      %add3A_141 = vector.broadcast %mul3A_139 : i32 to vector<512x512xi32>
      %add3A_142 = arith.addi %add3A_141, %iota3A_140 : vector<512x512xi32>
      %le3A = arith.cmpi sle, %add3A_142, %add3A_18 : vector<512x512xi32>
      %jit3A_143 = arith.constant -1.000000e+09 : f32
      %broadcast_in_dim3A_144 = vector.broadcast %jit3A_143 : f32 to vector<512x512xf32>
      %select_n3A_145 = arith.select %le3A, %dot_general3A_137, %broadcast_in_dim3A_144 : vector<512x512xi1>, vector<512x512xf32>
      %reduce_max3A = arith.constant dense<0xFF800000> : vector<512xf32>
      %reduce_max3A_146 = vector.multi_reduction <maximumf>, %select_n3A_145, %reduce_max3A [1] : vector<512x512xf32> to vector<512xf32>
      %broadcast_in_dim3A_147 = vector.shape_cast %reduce_max3A_146 : vector<512xf32> to vector<512x1xf32>
      %max3A = arith.maximumf %while3A_129, %broadcast_in_dim3A_147 : vector<512x1xf32>
      %sub3A_148 = vector.broadcast %max3A : vector<512x1xf32> to vector<512x512xf32>
      %sub3A_149 = arith.subf %select_n3A_145, %sub3A_148 : vector<512x512xf32>
      %exp3A = math.exp %sub3A_149 : vector<512x512xf32>
      %sub3A_150 = arith.subf %while3A_129, %max3A : vector<512x1xf32>
      %exp3A_151 = math.exp %sub3A_150 : vector<512x1xf32>
      %mul3A_152 = arith.mulf %while3A_130, %exp3A_151 : vector<512x1xf32>
      %reduce_sum3A = arith.constant dense<0.000000e+00> : vector<512xf32>
      %reduce_sum3A_153 = vector.multi_reduction <add>, %exp3A, %reduce_sum3A [1] : vector<512x512xf32> to vector<512xf32>
      %broadcast_in_dim3A_154 = vector.shape_cast %reduce_sum3A_153 : vector<512xf32> to vector<512x1xf32>
      %add3A_155 = arith.addf %mul3A_152, %broadcast_in_dim3A_154 : vector<512x1xf32>
      %mul3A_156 = arith.constant 512 : i32
      %mul3A_157 = arith.muli %while3A_128, %mul3A_156 : i32
      %get3A_158 = arith.index_cast %mul3A_157 : i32 to index
      %get3A_159 = arith.constant 0 : index
      %get3A_160 = vector.load %arg4[%get3A_158, %get3A_159] : memref<2048x128xf32, #tpu.memory_space<vmem>>, vector<512x64xf32>
      %mul3A_161 = vector.broadcast %exp3A_151 : vector<512x1xf32> to vector<512x64xf32>
      %mul3A_162 = arith.mulf %while3A_131, %mul3A_161 : vector<512x64xf32>
      %dot_general3A_163 = arith.constant dense<0.000000e+00> : vector<512x64xf32>
      %dot_general3A_164 = tpu.matmul %exp3A, %get3A_160, %dot_general3A_163 {dimension_numbers = #tpu.dot_dimension_numbers<[1], [0], [0], [1], [0, 0, 1, 1], [], []>, transpose_lhs_hint = false} : vector<512x512xf32>, vector<512x64xf32>, vector<512x64xf32> -> vector<512x64xf32>
      %add3A_165 = arith.addf %mul3A_162, %dot_general3A_164 : vector<512x64xf32>
      scf.yield %max3A, %add3A_155, %add3A_165 : vector<512x1xf32>, vector<512x1xf32>, vector<512x64xf32>
    }
    %while3A_56 = arith.constant 1 : i32
    %while3A_57:3 = scf.for %while3A_128 = %while3A_53 to %while3A_49 step %while3A_56 iter_args(%while3A_129 = %while3A_55#0, %while3A_130 = %while3A_55#1, %while3A_131 = %while3A_55#2) -> (vector<512x1xf32>, vector<512x1xf32>, vector<512x64xf32>)  : i32 {
      %mul3A_132 = arith.constant 512 : i32
      %mul3A_133 = arith.muli %while3A_128, %mul3A_132 : i32
      %get3A_134 = arith.index_cast %mul3A_133 : i32 to index
      %get3A_135 = arith.constant 0 : index
      %get3A_136 = vector.load %arg3[%get3A_134, %get3A_135] : memref<2048x128xf32, #tpu.memory_space<vmem>>, vector<512x64xf32>
      %dot_general3A = arith.constant dense<0.000000e+00> : vector<512x512xf32>
      %dot_general3A_137 = tpu.matmul %mul3A_15, %get3A_136, %dot_general3A {dimension_numbers = #tpu.dot_dimension_numbers<[1], [1], [0], [0], [0, 0, 1, 0], [], []>, transpose_lhs_hint = false} : vector<512x64xf32>, vector<512x64xf32>, vector<512x512xf32> -> vector<512x512xf32>
      %mul3A_138 = arith.constant 512 : i32
      %mul3A_139 = arith.muli %while3A_128, %mul3A_138 : i32
      %iota3A_140 = tpu.iota {dimensions = array<i32: 1>} : vector<512x512xi32>
      %add3A_141 = vector.broadcast %mul3A_139 : i32 to vector<512x512xi32>
      %add3A_142 = arith.addi %add3A_141, %iota3A_140 : vector<512x512xi32>
      %le3A = arith.cmpi sle, %add3A_142, %add3A_18 : vector<512x512xi32>
      %jit3A_143 = arith.constant -1.000000e+09 : f32
      %broadcast_in_dim3A_144 = vector.broadcast %jit3A_143 : f32 to vector<512x512xf32>
      %select_n3A_145 = arith.select %le3A, %dot_general3A_137, %broadcast_in_dim3A_144 : vector<512x512xi1>, vector<512x512xf32>
      %reduce_max3A = arith.constant dense<0xFF800000> : vector<512xf32>
      %reduce_max3A_146 = vector.multi_reduction <maximumf>, %select_n3A_145, %reduce_max3A [1] : vector<512x512xf32> to vector<512xf32>
      %broadcast_in_dim3A_147 = vector.shape_cast %reduce_max3A_146 : vector<512xf32> to vector<512x1xf32>
      %max3A = arith.maximumf %while3A_129, %broadcast_in_dim3A_147 : vector<512x1xf32>
      %sub3A_148 = vector.broadcast %max3A : vector<512x1xf32> to vector<512x512xf32>
      %sub3A_149 = arith.subf %select_n3A_145, %sub3A_148 : vector<512x512xf32>
      %exp3A = math.exp %sub3A_149 : vector<512x512xf32>
      %sub3A_150 = arith.subf %while3A_129, %max3A : vector<512x1xf32>
      %exp3A_151 = math.exp %sub3A_150 : vector<512x1xf32>
      %mul3A_152 = arith.mulf %while3A_130, %exp3A_151 : vector<512x1xf32>
      %reduce_sum3A = arith.constant dense<0.000000e+00> : vector<512xf32>
      %reduce_sum3A_153 = vector.multi_reduction <add>, %exp3A, %reduce_sum3A [1] : vector<512x512xf32> to vector<512xf32>
      %broadcast_in_dim3A_154 = vector.shape_cast %reduce_sum3A_153 : vector<512xf32> to vector<512x1xf32>
      %add3A_155 = arith.addf %mul3A_152, %broadcast_in_dim3A_154 : vector<512x1xf32>
      %mul3A_156 = arith.constant 512 : i32
      %mul3A_157 = arith.muli %while3A_128, %mul3A_156 : i32
      %get3A_158 = arith.index_cast %mul3A_157 : i32 to index
      %get3A_159 = arith.constant 0 : index
      %get3A_160 = vector.load %arg4[%get3A_158, %get3A_159] : memref<2048x128xf32, #tpu.memory_space<vmem>>, vector<512x64xf32>
      %mul3A_161 = vector.broadcast %exp3A_151 : vector<512x1xf32> to vector<512x64xf32>
      %mul3A_162 = arith.mulf %while3A_131, %mul3A_161 : vector<512x64xf32>
      %dot_general3A_163 = arith.constant dense<0.000000e+00> : vector<512x64xf32>
      %dot_general3A_164 = tpu.matmul %exp3A, %get3A_160, %dot_general3A_163 {dimension_numbers = #tpu.dot_dimension_numbers<[1], [0], [0], [1], [0, 0, 1, 1], [], []>, transpose_lhs_hint = false} : vector<512x512xf32>, vector<512x64xf32>, vector<512x64xf32> -> vector<512x64xf32>
      %add3A_165 = arith.addf %mul3A_162, %dot_general3A_164 : vector<512x64xf32>
      scf.yield %max3A, %add3A_155, %add3A_165 : vector<512x1xf32>, vector<512x1xf32>, vector<512x64xf32>
    }
    %div3A_58 = vector.broadcast %while3A_57#1 : vector<512x1xf32> to vector<512x64xf32>
    %div3A_59 = arith.divf %while3A_57#2, %div3A_58 : vector<512x64xf32>
    %swap3A_60 = arith.constant 0 : index
    %swap3A_61 = arith.constant 0 : index
    %swap3A_62 = vector.load %arg7[%swap3A_60, %swap3A_61] : memref<512x128xf32, #tpu.memory_space<vmem>>, vector<512x64xf32>
    tpu.vector_store %arg7[%swap3A_60, %swap3A_61], %div3A_59 {strides = array<i32>} : memref<512x128xf32, #tpu.memory_space<vmem>>, vector<512x64xf32>,
    %get3A_63 = arith.constant 0 : index
    %get3A_64 = arith.constant 64 : index
    %get3A_65 = vector.load %arg2[%get3A_63, %get3A_64] : memref<512x128xf32, #tpu.memory_space<vmem>>, vector<512x64xf32>
    %mul3A_66 = arith.constant 1.250000e-01 : f32
    %mul3A_67 = vector.broadcast %mul3A_66 : f32 to vector<512x64xf32>
    %mul3A_68 = arith.mulf %get3A_65, %mul3A_67 : vector<512x64xf32>
    %mul3A_69 = arith.constant 512 : i32
    %mul3A_70 = arith.muli %arg1, %mul3A_69 : i32
    %iota3A_71 = tpu.iota {dimensions = array<i32: 0>} : vector<512x512xi32>
    %add3A_72 = vector.broadcast %mul3A_70 : i32 to vector<512x512xi32>
    %add3A_73 = arith.addi %add3A_72, %iota3A_71 : vector<512x512xi32>
    %add3A_74 = arith.constant 1 : i32
    %add3A_75 = arith.addi %arg1, %add3A_74 : i32
    %mul3A_76 = arith.constant 512 : i32
    %mul3A_77 = arith.muli %add3A_75, %mul3A_76 : i32
    %add3A_78 = arith.constant 512 : i32
    %add3A_79 = arith.addi %mul3A_77, %add3A_78 : i32
    %sub3A_80 = arith.constant 1 : i32
    %sub3A_81 = arith.subi %add3A_79, %sub3A_80 : i32
    %jit3A_82 = arith.constant 512 : i32
    %div3A_83 = arith.divsi %sub3A_81, %jit3A_82 : i32
    %sign3A_84 = arith.constant 0 : i32
    %sign3A_85 = arith.cmpi sgt, %sub3A_81, %sign3A_84 : i32
    %sign3A_86 = arith.extui %sign3A_85 : i1 to i32
    %sign3A_87 = arith.constant 0 : i32
    %sign3A_88 = arith.cmpi slt, %sub3A_81, %sign3A_87 : i32
    %sign3A_89 = arith.extui %sign3A_88 : i1 to i32
    %sign3A_90 = arith.subi %sign3A_86, %sign3A_89 : i32
    %sign3A_91 = arith.constant 0 : i32
    %sign3A_92 = arith.cmpi sgt, %jit3A_82, %sign3A_91 : i32
    %sign3A_93 = arith.extui %sign3A_92 : i1 to i32
    %sign3A_94 = arith.constant 0 : i32
    %sign3A_95 = arith.cmpi slt, %jit3A_82, %sign3A_94 : i32
    %sign3A_96 = arith.extui %sign3A_95 : i1 to i32
    %sign3A_97 = arith.subi %sign3A_93, %sign3A_96 : i32
    %ne3A_98 = arith.cmpi ne, %sign3A_90, %sign3A_97 : i32
    %rem3A_99 = arith.remsi %sub3A_81, %jit3A_82 : i32
    %ne3A_100 = arith.constant 0 : i32
    %ne3A_101 = arith.cmpi ne, %rem3A_99, %ne3A_100 : i32
    %and3A_102 = arith.andi %ne3A_98, %ne3A_101 : i1
    %sub3A_103 = arith.constant 1 : i32
    %sub3A_104 = arith.subi %div3A_83, %sub3A_103 : i32
    %select_n3A_105 = arith.select %and3A_102, %sub3A_104, %div3A_83 : i32
    %broadcast_in_dim3A_106 = arith.constant 0xFF800000 : f32
    %broadcast_in_dim3A_107 = vector.broadcast %broadcast_in_dim3A_106 : f32 to vector<512x1xf32>
    %broadcast_in_dim3A_108 = arith.constant 0.000000e+00 : f32
    %broadcast_in_dim3A_109 = vector.broadcast %broadcast_in_dim3A_108 : f32 to vector<512x1xf32>
    %broadcast_in_dim3A_110 = arith.constant 0.000000e+00 : f32
    %broadcast_in_dim3A_111 = vector.broadcast %broadcast_in_dim3A_110 : f32 to vector<512x64xf32>
    %while3A_112 = arith.constant 0 : i32
    %while3A_113 = arith.subi %select_n3A_105, %while3A_112 : i32
    %while3A_114 = arith.addi %while3A_112, %while3A_113 : i32
    %while3A_115 = arith.constant 1 : i32
    %while3A_116 = arith.divsi %while3A_113, %while3A_115 : i32
    %while3A_117 = arith.muli %while3A_116, %while3A_115 : i32
    %while3A_118 = arith.addi %while3A_112, %while3A_117 : i32
    %while3A_119 = arith.constant 1 : i32
    %while3A_120:3 = scf.for %while3A_128 = %while3A_112 to %while3A_118 step %while3A_119 iter_args(%while3A_129 = %broadcast_in_dim3A_107, %while3A_130 = %broadcast_in_dim3A_109, %while3A_131 = %broadcast_in_dim3A_111) -> (vector<512x1xf32>, vector<512x1xf32>, vector<512x64xf32>)  : i32 {
      %mul3A_132 = arith.constant 512 : i32
      %mul3A_133 = arith.muli %while3A_128, %mul3A_132 : i32
      %get3A_134 = arith.index_cast %mul3A_133 : i32 to index
      %get3A_135 = arith.constant 64 : index
      %get3A_136 = vector.load %arg3[%get3A_134, %get3A_135] : memref<2048x128xf32, #tpu.memory_space<vmem>>, vector<512x64xf32>
      %dot_general3A = arith.constant dense<0.000000e+00> : vector<512x512xf32>
      %dot_general3A_137 = tpu.matmul %mul3A_68, %get3A_136, %dot_general3A {dimension_numbers = #tpu.dot_dimension_numbers<[1], [1], [0], [0], [0, 0, 1, 0], [], []>, transpose_lhs_hint = false} : vector<512x64xf32>, vector<512x64xf32>, vector<512x512xf32> -> vector<512x512xf32>
      %mul3A_138 = arith.constant 512 : i32
      %mul3A_139 = arith.muli %while3A_128, %mul3A_138 : i32
      %iota3A_140 = tpu.iota {dimensions = array<i32: 1>} : vector<512x512xi32>
      %add3A_141 = vector.broadcast %mul3A_139 : i32 to vector<512x512xi32>
      %add3A_142 = arith.addi %add3A_141, %iota3A_140 : vector<512x512xi32>
      %le3A = arith.cmpi sle, %add3A_142, %add3A_73 : vector<512x512xi32>
      %jit3A_143 = arith.constant -1.000000e+09 : f32
      %broadcast_in_dim3A_144 = vector.broadcast %jit3A_143 : f32 to vector<512x512xf32>
      %select_n3A_145 = arith.select %le3A, %dot_general3A_137, %broadcast_in_dim3A_144 : vector<512x512xi1>, vector<512x512xf32>
      %reduce_max3A = arith.constant dense<0xFF800000> : vector<512xf32>
      %reduce_max3A_146 = vector.multi_reduction <maximumf>, %select_n3A_145, %reduce_max3A [1] : vector<512x512xf32> to vector<512xf32>
      %broadcast_in_dim3A_147 = vector.shape_cast %reduce_max3A_146 : vector<512xf32> to vector<512x1xf32>
      %max3A = arith.maximumf %while3A_129, %broadcast_in_dim3A_147 : vector<512x1xf32>
      %sub3A_148 = vector.broadcast %max3A : vector<512x1xf32> to vector<512x512xf32>
      %sub3A_149 = arith.subf %select_n3A_145, %sub3A_148 : vector<512x512xf32>
      %exp3A = math.exp %sub3A_149 : vector<512x512xf32>
      %sub3A_150 = arith.subf %while3A_129, %max3A : vector<512x1xf32>
      %exp3A_151 = math.exp %sub3A_150 : vector<512x1xf32>
      %mul3A_152 = arith.mulf %while3A_130, %exp3A_151 : vector<512x1xf32>
      %reduce_sum3A = arith.constant dense<0.000000e+00> : vector<512xf32>
      %reduce_sum3A_153 = vector.multi_reduction <add>, %exp3A, %reduce_sum3A [1] : vector<512x512xf32> to vector<512xf32>
      %broadcast_in_dim3A_154 = vector.shape_cast %reduce_sum3A_153 : vector<512xf32> to vector<512x1xf32>
      %add3A_155 = arith.addf %mul3A_152, %broadcast_in_dim3A_154 : vector<512x1xf32>
      %mul3A_156 = arith.constant 512 : i32
      %mul3A_157 = arith.muli %while3A_128, %mul3A_156 : i32
      %get3A_158 = arith.index_cast %mul3A_157 : i32 to index
      %get3A_159 = arith.constant 64 : index
      %get3A_160 = vector.load %arg4[%get3A_158, %get3A_159] : memref<2048x128xf32, #tpu.memory_space<vmem>>, vector<512x64xf32>
      %mul3A_161 = vector.broadcast %exp3A_151 : vector<512x1xf32> to vector<512x64xf32>
      %mul3A_162 = arith.mulf %while3A_131, %mul3A_161 : vector<512x64xf32>
      %dot_general3A_163 = arith.constant dense<0.000000e+00> : vector<512x64xf32>
      %dot_general3A_164 = tpu.matmul %exp3A, %get3A_160, %dot_general3A_163 {dimension_numbers = #tpu.dot_dimension_numbers<[1], [0], [0], [1], [0, 0, 1, 1], [], []>, transpose_lhs_hint = false} : vector<512x512xf32>, vector<512x64xf32>, vector<512x64xf32> -> vector<512x64xf32>
      %add3A_165 = arith.addf %mul3A_162, %dot_general3A_164 : vector<512x64xf32>
      scf.yield %max3A, %add3A_155, %add3A_165 : vector<512x1xf32>, vector<512x1xf32>, vector<512x64xf32>
    }
    %while3A_121 = arith.constant 1 : i32
    %while3A_122:3 = scf.for %while3A_128 = %while3A_118 to %while3A_114 step %while3A_121 iter_args(%while3A_129 = %while3A_120#0, %while3A_130 = %while3A_120#1, %while3A_131 = %while3A_120#2) -> (vector<512x1xf32>, vector<512x1xf32>, vector<512x64xf32>)  : i32 {
      %mul3A_132 = arith.constant 512 : i32
      %mul3A_133 = arith.muli %while3A_128, %mul3A_132 : i32
      %get3A_134 = arith.index_cast %mul3A_133 : i32 to index
      %get3A_135 = arith.constant 64 : index
      %get3A_136 = vector.load %arg3[%get3A_134, %get3A_135] : memref<2048x128xf32, #tpu.memory_space<vmem>>, vector<512x64xf32>
      %dot_general3A = arith.constant dense<0.000000e+00> : vector<512x512xf32>
      %dot_general3A_137 = tpu.matmul %mul3A_68, %get3A_136, %dot_general3A {dimension_numbers = #tpu.dot_dimension_numbers<[1], [1], [0], [0], [0, 0, 1, 0], [], []>, transpose_lhs_hint = false} : vector<512x64xf32>, vector<512x64xf32>, vector<512x512xf32> -> vector<512x512xf32>
      %mul3A_138 = arith.constant 512 : i32
      %mul3A_139 = arith.muli %while3A_128, %mul3A_138 : i32
      %iota3A_140 = tpu.iota {dimensions = array<i32: 1>} : vector<512x512xi32>
      %add3A_141 = vector.broadcast %mul3A_139 : i32 to vector<512x512xi32>
      %add3A_142 = arith.addi %add3A_141, %iota3A_140 : vector<512x512xi32>
      %le3A = arith.cmpi sle, %add3A_142, %add3A_73 : vector<512x512xi32>
      %jit3A_143 = arith.constant -1.000000e+09 : f32
      %broadcast_in_dim3A_144 = vector.broadcast %jit3A_143 : f32 to vector<512x512xf32>
      %select_n3A_145 = arith.select %le3A, %dot_general3A_137, %broadcast_in_dim3A_144 : vector<512x512xi1>, vector<512x512xf32>
      %reduce_max3A = arith.constant dense<0xFF800000> : vector<512xf32>
      %reduce_max3A_146 = vector.multi_reduction <maximumf>, %select_n3A_145, %reduce_max3A [1] : vector<512x512xf32> to vector<512xf32>
      %broadcast_in_dim3A_147 = vector.shape_cast %reduce_max3A_146 : vector<512xf32> to vector<512x1xf32>
      %max3A = arith.maximumf %while3A_129, %broadcast_in_dim3A_147 : vector<512x1xf32>
      %sub3A_148 = vector.broadcast %max3A : vector<512x1xf32> to vector<512x512xf32>
      %sub3A_149 = arith.subf %select_n3A_145, %sub3A_148 : vector<512x512xf32>
      %exp3A = math.exp %sub3A_149 : vector<512x512xf32>
      %sub3A_150 = arith.subf %while3A_129, %max3A : vector<512x1xf32>
      %exp3A_151 = math.exp %sub3A_150 : vector<512x1xf32>
      %mul3A_152 = arith.mulf %while3A_130, %exp3A_151 : vector<512x1xf32>
      %reduce_sum3A = arith.constant dense<0.000000e+00> : vector<512xf32>
      %reduce_sum3A_153 = vector.multi_reduction <add>, %exp3A, %reduce_sum3A [1] : vector<512x512xf32> to vector<512xf32>
      %broadcast_in_dim3A_154 = vector.shape_cast %reduce_sum3A_153 : vector<512xf32> to vector<512x1xf32>
      %add3A_155 = arith.addf %mul3A_152, %broadcast_in_dim3A_154 : vector<512x1xf32>
      %mul3A_156 = arith.constant 512 : i32
      %mul3A_157 = arith.muli %while3A_128, %mul3A_156 : i32
      %get3A_158 = arith.index_cast %mul3A_157 : i32 to index
      %get3A_159 = arith.constant 64 : index
      %get3A_160 = vector.load %arg4[%get3A_158, %get3A_159] : memref<2048x128xf32, #tpu.memory_space<vmem>>, vector<512x64xf32>
      %mul3A_161 = vector.broadcast %exp3A_151 : vector<512x1xf32> to vector<512x64xf32>
      %mul3A_162 = arith.mulf %while3A_131, %mul3A_161 : vector<512x64xf32>
      %dot_general3A_163 = arith.constant dense<0.000000e+00> : vector<512x64xf32>
      %dot_general3A_164 = tpu.matmul %exp3A, %get3A_160, %dot_general3A_163 {dimension_numbers = #tpu.dot_dimension_numbers<[1], [0], [0], [1], [0, 0, 1, 1], [], []>, transpose_lhs_hint = false} : vector<512x512xf32>, vector<512x64xf32>, vector<512x64xf32> -> vector<512x64xf32>
      %add3A_165 = arith.addf %mul3A_162, %dot_general3A_164 : vector<512x64xf32>
      scf.yield %max3A, %add3A_155, %add3A_165 : vector<512x1xf32>, vector<512x1xf32>, vector<512x64xf32>
    }
    %div3A_123 = vector.broadcast %while3A_122#1 : vector<512x1xf32> to vector<512x64xf32>
    %div3A_124 = arith.divf %while3A_122#2, %div3A_123 : vector<512x64xf32>
    %swap3A_125 = arith.constant 0 : index
    %swap3A_126 = arith.constant 64 : index
    %swap3A_127 = vector.load %arg7[%swap3A_125, %swap3A_126] : memref<512x128xf32, #tpu.memory_space<vmem>>, vector<512x64xf32>
    tpu.vector_store %arg7[%swap3A_125, %swap3A_126], %div3A_124 {strides = array<i32>} : memref<512x128xf32, #tpu.memory_space<vmem>>, vector<512x64xf32>,
    return
  }
  func.func @transform_0(%arg0: i32, %arg1: i32) -> (i32, i32) {
    %c0_i32 = arith.constant 0 : i32
    return %arg1, %arg0 : i32, i32
  }
  func.func @transform_1(%arg0: i32, %arg1: i32) -> (i32, i32) {
    %c0_i32 = arith.constant 0 : i32
    %c0_i32_0 = arith.constant 0 : i32
    return %c0_i32, %arg0 : i32, i32
  }
  func.func @transform_2(%arg0: i32, %arg1: i32) -> (i32, i32) {
    %c0_i32 = arith.constant 0 : i32
    %c0_i32_0 = arith.constant 0 : i32
    return %c0_i32, %arg0 : i32, i32
  }
  func.func @transform_3(%arg0: i32, %arg1: i32) -> (i32, i32) {
    %mul3A = arith.constant 4 : i32
    %mul3A_0 = arith.muli %arg0, %mul3A : i32
    %add3A = arith.addi %mul3A_0, %arg1 : i32
    %c0_i32 = arith.constant 0 : i32
    %c0_i32_1 = arith.constant 0 : i32
    return %add3A, %c0_i32 : i32, i32
  }
  func.func @transform_4(%arg0: i32, %arg1: i32) -> (i32, i32) {
    %mul3A = arith.constant 4 : i32
    %mul3A_0 = arith.muli %arg0, %mul3A : i32
    %add3A = arith.addi %mul3A_0, %arg1 : i32
    %c0_i32 = arith.constant 0 : i32
    %c0_i32_1 = arith.constant 0 : i32
    return %add3A, %c0_i32 : i32, i32
  }
  func.func @transform_5(%arg0: i32, %arg1: i32) -> (i32, i32) {
    %c0_i32 = arith.constant 0 : i32
    return %arg1, %arg0 : i32, i32
  }
  func.func @transform_6(%arg0: i32, %arg1: i32) -> (i32, i32) {
    %mul3A = arith.constant 4 : i32
    %mul3A_0 = arith.muli %arg0, %mul3A : i32
    %add3A = arith.addi %mul3A_0, %arg1 : i32
    %c0_i32 = arith.constant 0 : i32
    %c0_i32_1 = arith.constant 0 : i32
    return %add3A, %c0_i32 : i32, i32
  }
  func.func @transform_7(%arg0: i32, %arg1: i32) -> (i32, i32) {
    %mul3A = arith.constant 4 : i32
    %mul3A_0 = arith.muli %arg0, %mul3A : i32
    %add3A = arith.addi %mul3A_0, %arg1 : i32
    %c0_i32 = arith.constant 0 : i32
    %c0_i32_1 = arith.constant 0 : i32
    return %add3A, %c0_i32 : i32, i32
  }
}

module attributes {stable_mosaic.version = 14 : i64} {
  func.func @_wo_ln1_rt_kernel(%arg0: i32, %arg1: memref<512x1024xf32, #tpu.memory_space<vmem>>, %arg2: memref<512x1024xf32, #tpu.memory_space<vmem>>, %arg3: memref<1024x1024xf32, #tpu.memory_space<vmem>>, %arg4: memref<1x1024xf32, #tpu.memory_space<vmem>>, %arg5: memref<1x1024xf32, #tpu.memory_space<vmem>>, %arg6: memref<1x1024xf32, #tpu.memory_space<vmem>>, %arg7: memref<1024x8xf32, #tpu.memory_space<vmem>>, %arg8: memref<1x8xf32, #tpu.memory_space<vmem>>, %arg9: memref<512x1024xf32, #tpu.memory_space<vmem>>, %arg10: memref<512x1024xbf16, #tpu.memory_space<vmem>>, %arg11: memref<512x2xi32, #tpu.memory_space<vmem>>, %arg12: memref<512x2xf32, #tpu.memory_space<vmem>>, %arg13: memref<1x8xf32, #tpu.memory_space<vmem>>, %arg14: memref<1x8xf32, #tpu.memory_space<vmem>>) attributes {dimension_semantics = [#tpu.dimension_semantics<arbitrary>], iteration_bounds = array<i64: 4>, scalar_prefetch = 0 : i64, scratch_operands = 0 : i64, tpu.core_type = #tpu.core_type<tc>, window_params = [{transform_indices = @transform_0, window_bounds = array<i64: 512, 1024>}, {transform_indices = @transform_1, window_bounds = array<i64: 512, 1024>}, {pipeline_mode = #tpu.pipeline_mode<synchronous>, transform_indices = @transform_2, window_bounds = array<i64: 1024, 1024>}, {pipeline_mode = #tpu.pipeline_mode<synchronous>, transform_indices = @transform_3, window_bounds = array<i64: 1, 1024>}, {pipeline_mode = #tpu.pipeline_mode<synchronous>, transform_indices = @transform_4, window_bounds = array<i64: 1, 1024>}, {pipeline_mode = #tpu.pipeline_mode<synchronous>, transform_indices = @transform_5, window_bounds = array<i64: 1, 1024>}, {pipeline_mode = #tpu.pipeline_mode<synchronous>, transform_indices = @transform_6, window_bounds = array<i64: 1024, 8>}, {pipeline_mode = #tpu.pipeline_mode<synchronous>, transform_indices = @transform_7, window_bounds = array<i64: 1, 8>}, {transform_indices = @transform_8, window_bounds = array<i64: 512, 1024>}, {transform_indices = @transform_9, window_bounds = array<i64: 512, 1024>}, {transform_indices = @transform_10, window_bounds = array<i64: 512, 2>}, {transform_indices = @transform_11, window_bounds = array<i64: 512, 2>}, {pipeline_mode = #tpu.pipeline_mode<synchronous>, transform_indices = @transform_12, window_bounds = array<i64: 1, 8>}, {pipeline_mode = #tpu.pipeline_mode<synchronous>, transform_indices = @transform_13, window_bounds = array<i64: 1, 8>}]} {
    %get3A = arith.constant 0 : index
    %get3A_0 = arith.constant 0 : index
    %get3A_1 = vector.load %arg1[%get3A, %get3A_0] : memref<512x1024xf32, #tpu.memory_space<vmem>>, vector<512x1024xf32>
    %get3A_2 = arith.constant 0 : index
    %get3A_3 = arith.constant 0 : index
    %get3A_4 = vector.load %arg3[%get3A_2, %get3A_3] : memref<1024x1024xf32, #tpu.memory_space<vmem>>, vector<1024x1024xf32>
    %dot_general3A = arith.constant dense<0.000000e+00> : vector<512x1024xf32>
    %dot_general3A_5 = tpu.matmul %get3A_1, %get3A_4, %dot_general3A {dimension_numbers = #tpu.dot_dimension_numbers<[1], [0], [0], [1], [0, 0, 1, 1], [], []>, transpose_lhs_hint = false} : vector<512x1024xf32>, vector<1024x1024xf32>, vector<512x1024xf32> -> vector<512x1024xf32>
    %get3A_6 = arith.constant 0 : index
    %get3A_7 = arith.constant 0 : index
    %get3A_8 = vector.load %arg4[%get3A_6, %get3A_7] : memref<1x1024xf32, #tpu.memory_space<vmem>>, vector<1x1024xf32>
    %add3A = vector.broadcast %get3A_8 : vector<1x1024xf32> to vector<512x1024xf32>
    %add3A_9 = arith.addf %dot_general3A_5, %add3A : vector<512x1024xf32>
    %get3A_10 = arith.constant 0 : index
    %get3A_11 = arith.constant 0 : index
    %get3A_12 = vector.load %arg2[%get3A_10, %get3A_11] : memref<512x1024xf32, #tpu.memory_space<vmem>>, vector<512x1024xf32>
    %add3A_13 = arith.addf %get3A_12, %add3A_9 : vector<512x1024xf32>
    %reduce_sum3A = arith.constant dense<0.000000e+00> : vector<512xf32>
    %reduce_sum3A_14 = vector.multi_reduction <add>, %add3A_13, %reduce_sum3A [1] : vector<512x1024xf32> to vector<512xf32>
    %broadcast_in_dim3A = vector.shape_cast %reduce_sum3A_14 : vector<512xf32> to vector<512x1xf32>
    %div3A = arith.constant 1.024000e+03 : f32
    %div3A_15 = vector.broadcast %div3A : f32 to vector<512x1xf32>
    %div3A_16 = arith.divf %broadcast_in_dim3A, %div3A_15 : vector<512x1xf32>
    %sub3A = vector.broadcast %div3A_16 : vector<512x1xf32> to vector<512x1024xf32>
    %sub3A_17 = arith.subf %add3A_13, %sub3A : vector<512x1024xf32>
    %mul3A = arith.mulf %sub3A_17, %sub3A_17 : vector<512x1024xf32>
    %reduce_sum3A_18 = arith.constant dense<0.000000e+00> : vector<512xf32>
    %reduce_sum3A_19 = vector.multi_reduction <add>, %mul3A, %reduce_sum3A_18 [1] : vector<512x1024xf32> to vector<512xf32>
    %broadcast_in_dim3A_20 = vector.shape_cast %reduce_sum3A_19 : vector<512xf32> to vector<512x1xf32>
    %div3A_21 = arith.constant 1.024000e+03 : f32
    %div3A_22 = vector.broadcast %div3A_21 : f32 to vector<512x1xf32>
    %div3A_23 = arith.divf %broadcast_in_dim3A_20, %div3A_22 : vector<512x1xf32>
    %add3A_24 = arith.constant 9.99999974E-6 : f32
    %add3A_25 = vector.broadcast %add3A_24 : f32 to vector<512x1xf32>
    %add3A_26 = arith.addf %div3A_23, %add3A_25 : vector<512x1xf32>
    %rsqrt3A = math.rsqrt %add3A_26 : vector<512x1xf32>
    %mul3A_27 = vector.broadcast %rsqrt3A : vector<512x1xf32> to vector<512x1024xf32>
    %mul3A_28 = arith.mulf %sub3A_17, %mul3A_27 : vector<512x1024xf32>
    %get3A_29 = arith.constant 0 : index
    %get3A_30 = arith.constant 0 : index
    %get3A_31 = vector.load %arg5[%get3A_29, %get3A_30] : memref<1x1024xf32, #tpu.memory_space<vmem>>, vector<1x1024xf32>
    %mul3A_32 = vector.broadcast %get3A_31 : vector<1x1024xf32> to vector<512x1024xf32>
    %mul3A_33 = arith.mulf %mul3A_28, %mul3A_32 : vector<512x1024xf32>
    %get3A_34 = arith.constant 0 : index
    %get3A_35 = arith.constant 0 : index
    %get3A_36 = vector.load %arg6[%get3A_34, %get3A_35] : memref<1x1024xf32, #tpu.memory_space<vmem>>, vector<1x1024xf32>
    %add3A_37 = vector.broadcast %get3A_36 : vector<1x1024xf32> to vector<512x1024xf32>
    %add3A_38 = arith.addf %mul3A_33, %add3A_37 : vector<512x1024xf32>
    %swap3A = arith.constant 0 : index
    %swap3A_39 = arith.constant 0 : index
    %swap3A_40 = vector.load %arg9[%swap3A, %swap3A_39] : memref<512x1024xf32, #tpu.memory_space<vmem>>, vector<512x1024xf32>
    tpu.vector_store %arg9[%swap3A, %swap3A_39], %add3A_38 {strides = array<i32>} : memref<512x1024xf32, #tpu.memory_space<vmem>>, vector<512x1024xf32>,
    %convert_element_type3A = arith.truncf %add3A_38 : vector<512x1024xf32> to vector<512x1024xbf16>
    %swap3A_41 = arith.constant 0 : index
    %swap3A_42 = arith.constant 0 : index
    %swap3A_43 = vector.load %arg10[%swap3A_41, %swap3A_42] : memref<512x1024xbf16, #tpu.memory_space<vmem>>, vector<512x1024xbf16>
    tpu.vector_store %arg10[%swap3A_41, %swap3A_42], %convert_element_type3A {strides = array<i32>} : memref<512x1024xbf16, #tpu.memory_space<vmem>>, vector<512x1024xbf16>,
    %get3A_44 = arith.constant 0 : index
    %get3A_45 = arith.constant 0 : index
    %get3A_46 = vector.load %arg7[%get3A_44, %get3A_45] : memref<1024x8xf32, #tpu.memory_space<vmem>>, vector<1024x8xf32>
    %dot_general3A_47 = arith.constant dense<0.000000e+00> : vector<512x8xf32>
    %dot_general3A_48 = tpu.matmul %add3A_38, %get3A_46, %dot_general3A_47 {dimension_numbers = #tpu.dot_dimension_numbers<[1], [0], [0], [1], [0, 0, 1, 1], [], []>, transpose_lhs_hint = false} : vector<512x1024xf32>, vector<1024x8xf32>, vector<512x8xf32> -> vector<512x8xf32>
    %get3A_49 = arith.constant 0 : index
    %get3A_50 = arith.constant 0 : index
    %get3A_51 = vector.load %arg8[%get3A_49, %get3A_50] : memref<1x8xf32, #tpu.memory_space<vmem>>, vector<1x8xf32>
    %add3A_52 = vector.broadcast %get3A_51 : vector<1x8xf32> to vector<512x8xf32>
    %add3A_53 = arith.addf %dot_general3A_48, %add3A_52 : vector<512x8xf32>
    %reduce_max3A = arith.constant dense<0xFF800000> : vector<512xf32>
    %reduce_max3A_54 = vector.multi_reduction <maximumf>, %add3A_53, %reduce_max3A [1] : vector<512x8xf32> to vector<512xf32>
    %broadcast_in_dim3A_55 = vector.shape_cast %reduce_max3A_54 : vector<512xf32> to vector<512x1xf32>
    %sub3A_56 = vector.broadcast %broadcast_in_dim3A_55 : vector<512x1xf32> to vector<512x8xf32>
    %sub3A_57 = arith.subf %add3A_53, %sub3A_56 : vector<512x8xf32>
    %exp3A = math.exp %sub3A_57 : vector<512x8xf32>
    %reduce_sum3A_58 = arith.constant dense<0.000000e+00> : vector<512xf32>
    %reduce_sum3A_59 = vector.multi_reduction <add>, %exp3A, %reduce_sum3A_58 [1] : vector<512x8xf32> to vector<512xf32>
    %broadcast_in_dim3A_60 = vector.shape_cast %reduce_sum3A_59 : vector<512xf32> to vector<512x1xf32>
    %div3A_61 = vector.broadcast %broadcast_in_dim3A_60 : vector<512x1xf32> to vector<512x8xf32>
    %div3A_62 = arith.divf %exp3A, %div3A_61 : vector<512x8xf32>
    %iota3A = tpu.iota {dimensions = array<i32: 1>} : vector<512x8xi32>
    %eq3A = vector.broadcast %broadcast_in_dim3A_55 : vector<512x1xf32> to vector<512x8xf32>
    %eq3A_63 = arith.cmpf oeq, %add3A_53, %eq3A : vector<512x8xf32>
    %jit3A = arith.constant 8 : i32
    %broadcast_in_dim3A_64 = vector.broadcast %jit3A : i32 to vector<512x8xi32>
    %select_n3A = arith.select %eq3A_63, %iota3A, %broadcast_in_dim3A_64 : vector<512x8xi1>, vector<512x8xi32>
    %reduce_min3A = arith.constant dense<2147483647> : vector<512xi32>
    %reduce_min3A_65 = vector.multi_reduction <minsi>, %select_n3A, %reduce_min3A [1] : vector<512x8xi32> to vector<512xi32>
    %broadcast_in_dim3A_66 = vector.shape_cast %reduce_min3A_65 : vector<512xi32> to vector<512x1xi32>
    %eq3A_67 = vector.broadcast %broadcast_in_dim3A_66 : vector<512x1xi32> to vector<512x8xi32>
    %eq3A_68 = arith.cmpi eq, %iota3A, %eq3A_67 : vector<512x8xi32>
    %jit3A_69 = arith.constant 0xFF800000 : f32
    %broadcast_in_dim3A_70 = vector.broadcast %jit3A_69 : f32 to vector<512x8xf32>
    %select_n3A_71 = arith.select %eq3A_68, %broadcast_in_dim3A_70, %add3A_53 : vector<512x8xi1>, vector<512x8xf32>
    %reduce_max3A_72 = arith.constant dense<0xFF800000> : vector<512xf32>
    %reduce_max3A_73 = vector.multi_reduction <maximumf>, %select_n3A_71, %reduce_max3A_72 [1] : vector<512x8xf32> to vector<512xf32>
    %broadcast_in_dim3A_74 = vector.shape_cast %reduce_max3A_73 : vector<512xf32> to vector<512x1xf32>
    %eq3A_75 = vector.broadcast %broadcast_in_dim3A_74 : vector<512x1xf32> to vector<512x8xf32>
    %eq3A_76 = arith.cmpf oeq, %select_n3A_71, %eq3A_75 : vector<512x8xf32>
    %jit3A_77 = arith.constant 8 : i32
    %broadcast_in_dim3A_78 = vector.broadcast %jit3A_77 : i32 to vector<512x8xi32>
    %select_n3A_79 = arith.select %eq3A_76, %iota3A, %broadcast_in_dim3A_78 : vector<512x8xi1>, vector<512x8xi32>
    %reduce_min3A_80 = arith.constant dense<2147483647> : vector<512xi32>
    %reduce_min3A_81 = vector.multi_reduction <minsi>, %select_n3A_79, %reduce_min3A_80 [1] : vector<512x8xi32> to vector<512xi32>
    %broadcast_in_dim3A_82 = vector.shape_cast %reduce_min3A_81 : vector<512xi32> to vector<512x1xi32>
    %concatenate3A = tpu.concatenate %broadcast_in_dim3A_66, %broadcast_in_dim3A_82 in 1 : vector<512x1xi32>, vector<512x1xi32> -> vector<512x2xi32>
    %swap3A_83 = arith.constant 0 : index
    %swap3A_84 = arith.constant 0 : index
    %swap3A_85 = vector.load %arg11[%swap3A_83, %swap3A_84] : memref<512x2xi32, #tpu.memory_space<vmem>>, vector<512x2xi32>
    tpu.vector_store %arg11[%swap3A_83, %swap3A_84], %concatenate3A {strides = array<i32>} : memref<512x2xi32, #tpu.memory_space<vmem>>, vector<512x2xi32>,
    %sub3A_86 = arith.subf %broadcast_in_dim3A_74, %broadcast_in_dim3A_55 : vector<512x1xf32>
    %exp3A_87 = math.exp %sub3A_86 : vector<512x1xf32>
    %add3A_88 = arith.constant 1.000000e+00 : f32
    %add3A_89 = vector.broadcast %add3A_88 : f32 to vector<512x1xf32>
    %add3A_90 = arith.addf %add3A_89, %exp3A_87 : vector<512x1xf32>
    %div3A_91 = arith.constant 1.000000e+00 : f32
    %div3A_92 = vector.broadcast %div3A_91 : f32 to vector<512x1xf32>
    %div3A_93 = arith.divf %div3A_92, %add3A_90 : vector<512x1xf32>
    %sub3A_94 = arith.constant 1.000000e+00 : f32
    %sub3A_95 = vector.broadcast %sub3A_94 : f32 to vector<512x1xf32>
    %sub3A_96 = arith.subf %sub3A_95, %div3A_93 : vector<512x1xf32>
    %concatenate3A_97 = tpu.concatenate %div3A_93, %sub3A_96 in 1 : vector<512x1xf32>, vector<512x1xf32> -> vector<512x2xf32>
    %swap3A_98 = arith.constant 0 : index
    %swap3A_99 = arith.constant 0 : index
    %swap3A_100 = vector.load %arg12[%swap3A_98, %swap3A_99] : memref<512x2xf32, #tpu.memory_space<vmem>>, vector<512x2xf32>
    tpu.vector_store %arg12[%swap3A_98, %swap3A_99], %concatenate3A_97 {strides = array<i32>} : memref<512x2xf32, #tpu.memory_space<vmem>>, vector<512x2xf32>,
    %eq3A_101 = arith.constant 0 : i32
    %eq3A_102 = arith.cmpi eq, %arg0, %eq3A_101 : i32
    %convert_element_type3A_103 = arith.extui %eq3A_102 : i1 to i32
    %cond3A = arith.constant 0 : i32
    %cond3A_104 = arith.cmpi ne, %convert_element_type3A_103, %cond3A : i32
    scf.if %cond3A_104 {
      %broadcast_in_dim3A_134 = arith.constant 0.000000e+00 : f32
      %broadcast_in_dim3A_135 = vector.broadcast %broadcast_in_dim3A_134 : f32 to vector<1x8xf32>
      %swap3A_136 = arith.constant 0 : index
      %swap3A_137 = arith.constant 0 : index
      %swap3A_138 = vector.load %arg13[%swap3A_136, %swap3A_137] : memref<1x8xf32, #tpu.memory_space<vmem>>, vector<1x8xf32>
      tpu.vector_store %arg13[%swap3A_136, %swap3A_137], %broadcast_in_dim3A_135 {strides = array<i32>} : memref<1x8xf32, #tpu.memory_space<vmem>>, vector<1x8xf32>,
      %broadcast_in_dim3A_139 = arith.constant 0.000000e+00 : f32
      %broadcast_in_dim3A_140 = vector.broadcast %broadcast_in_dim3A_139 : f32 to vector<1x8xf32>
      %swap3A_141 = arith.constant 0 : index
      %swap3A_142 = arith.constant 0 : index
      %swap3A_143 = vector.load %arg14[%swap3A_141, %swap3A_142] : memref<1x8xf32, #tpu.memory_space<vmem>>, vector<1x8xf32>
      tpu.vector_store %arg14[%swap3A_141, %swap3A_142], %broadcast_in_dim3A_140 {strides = array<i32>} : memref<1x8xf32, #tpu.memory_space<vmem>>, vector<1x8xf32>,
    } else {
    }
    %get3A_105 = arith.constant 0 : index
    %get3A_106 = arith.constant 0 : index
    %get3A_107 = vector.load %arg13[%get3A_105, %get3A_106] : memref<1x8xf32, #tpu.memory_space<vmem>>, vector<1x8xf32>
    %reduce_sum3A_108 = arith.constant dense<0.000000e+00> : vector<8xf32>
    %reduce_sum3A_109 = vector.multi_reduction <add>, %div3A_62, %reduce_sum3A_108 [0] : vector<512x8xf32> to vector<8xf32>
    %broadcast_in_dim3A_110 = vector.shape_cast %reduce_sum3A_109 : vector<8xf32> to vector<1x8xf32>
    %add3A_111 = arith.addf %get3A_107, %broadcast_in_dim3A_110 : vector<1x8xf32>
    %swap3A_112 = arith.constant 0 : index
    %swap3A_113 = arith.constant 0 : index
    %swap3A_114 = vector.load %arg13[%swap3A_112, %swap3A_113] : memref<1x8xf32, #tpu.memory_space<vmem>>, vector<1x8xf32>
    tpu.vector_store %arg13[%swap3A_112, %swap3A_113], %add3A_111 {strides = array<i32>} : memref<1x8xf32, #tpu.memory_space<vmem>>, vector<1x8xf32>,
    %get3A_115 = arith.constant 0 : index
    %get3A_116 = arith.constant 0 : index
    %get3A_117 = vector.load %arg14[%get3A_115, %get3A_116] : memref<1x8xf32, #tpu.memory_space<vmem>>, vector<1x8xf32>
    %eq3A_118 = vector.broadcast %broadcast_in_dim3A_66 : vector<512x1xi32> to vector<512x8xi32>
    %eq3A_119 = arith.cmpi eq, %iota3A, %eq3A_118 : vector<512x8xi32>
    %convert_element_type3A_120 = arith.extui %eq3A_119 : vector<512x8xi1> to vector<512x8xi32>
    %convert_element_type3A_121 = arith.sitofp %convert_element_type3A_120 : vector<512x8xi32> to vector<512x8xf32>
    %eq3A_122 = vector.broadcast %broadcast_in_dim3A_82 : vector<512x1xi32> to vector<512x8xi32>
    %eq3A_123 = arith.cmpi eq, %iota3A, %eq3A_122 : vector<512x8xi32>
    %convert_element_type3A_124 = arith.extui %eq3A_123 : vector<512x8xi1> to vector<512x8xi32>
    %convert_element_type3A_125 = arith.sitofp %convert_element_type3A_124 : vector<512x8xi32> to vector<512x8xf32>
    %add3A_126 = arith.addf %convert_element_type3A_121, %convert_element_type3A_125 : vector<512x8xf32>
    %reduce_sum3A_127 = arith.constant dense<0.000000e+00> : vector<8xf32>
    %reduce_sum3A_128 = vector.multi_reduction <add>, %add3A_126, %reduce_sum3A_127 [0] : vector<512x8xf32> to vector<8xf32>
    %broadcast_in_dim3A_129 = vector.shape_cast %reduce_sum3A_128 : vector<8xf32> to vector<1x8xf32>
    %add3A_130 = arith.addf %get3A_117, %broadcast_in_dim3A_129 : vector<1x8xf32>
    %swap3A_131 = arith.constant 0 : index
    %swap3A_132 = arith.constant 0 : index
    %swap3A_133 = vector.load %arg14[%swap3A_131, %swap3A_132] : memref<1x8xf32, #tpu.memory_space<vmem>>, vector<1x8xf32>
    tpu.vector_store %arg14[%swap3A_131, %swap3A_132], %add3A_130 {strides = array<i32>} : memref<1x8xf32, #tpu.memory_space<vmem>>, vector<1x8xf32>,
    return
  }
  func.func @transform_0(%arg0: i32) -> (i32, i32) {
    %c0_i32 = arith.constant 0 : i32
    %c0_i32_0 = arith.constant 0 : i32
    return %arg0, %c0_i32 : i32, i32
  }
  func.func @transform_1(%arg0: i32) -> (i32, i32) {
    %c0_i32 = arith.constant 0 : i32
    %c0_i32_0 = arith.constant 0 : i32
    return %arg0, %c0_i32 : i32, i32
  }
  func.func @transform_2(%arg0: i32) -> (i32, i32) {
    %c0_i32 = arith.constant 0 : i32
    %c0_i32_0 = arith.constant 0 : i32
    %c0_i32_1 = arith.constant 0 : i32
    return %c0_i32, %c0_i32_0 : i32, i32
  }
  func.func @transform_3(%arg0: i32) -> (i32, i32) {
    %c0_i32 = arith.constant 0 : i32
    %c0_i32_0 = arith.constant 0 : i32
    %c0_i32_1 = arith.constant 0 : i32
    return %c0_i32, %c0_i32_0 : i32, i32
  }
  func.func @transform_4(%arg0: i32) -> (i32, i32) {
    %c0_i32 = arith.constant 0 : i32
    %c0_i32_0 = arith.constant 0 : i32
    %c0_i32_1 = arith.constant 0 : i32
    return %c0_i32, %c0_i32_0 : i32, i32
  }
  func.func @transform_5(%arg0: i32) -> (i32, i32) {
    %c0_i32 = arith.constant 0 : i32
    %c0_i32_0 = arith.constant 0 : i32
    %c0_i32_1 = arith.constant 0 : i32
    return %c0_i32, %c0_i32_0 : i32, i32
  }
  func.func @transform_6(%arg0: i32) -> (i32, i32) {
    %c0_i32 = arith.constant 0 : i32
    %c0_i32_0 = arith.constant 0 : i32
    %c0_i32_1 = arith.constant 0 : i32
    return %c0_i32, %c0_i32_0 : i32, i32
  }
  func.func @transform_7(%arg0: i32) -> (i32, i32) {
    %c0_i32 = arith.constant 0 : i32
    %c0_i32_0 = arith.constant 0 : i32
    %c0_i32_1 = arith.constant 0 : i32
    return %c0_i32, %c0_i32_0 : i32, i32
  }
  func.func @transform_8(%arg0: i32) -> (i32, i32) {
    %c0_i32 = arith.constant 0 : i32
    %c0_i32_0 = arith.constant 0 : i32
    return %arg0, %c0_i32 : i32, i32
  }
  func.func @transform_9(%arg0: i32) -> (i32, i32) {
    %c0_i32 = arith.constant 0 : i32
    %c0_i32_0 = arith.constant 0 : i32
    return %arg0, %c0_i32 : i32, i32
  }
  func.func @transform_10(%arg0: i32) -> (i32, i32) {
    %c0_i32 = arith.constant 0 : i32
    %c0_i32_0 = arith.constant 0 : i32
    return %arg0, %c0_i32 : i32, i32
  }
  func.func @transform_11(%arg0: i32) -> (i32, i32) {
    %c0_i32 = arith.constant 0 : i32
    %c0_i32_0 = arith.constant 0 : i32
    return %arg0, %c0_i32 : i32, i32
  }
  func.func @transform_12(%arg0: i32) -> (i32, i32) {
    %c0_i32 = arith.constant 0 : i32
    %c0_i32_0 = arith.constant 0 : i32
    %c0_i32_1 = arith.constant 0 : i32
    return %c0_i32, %c0_i32_0 : i32, i32
  }
  func.func @transform_13(%arg0: i32) -> (i32, i32) {
    %c0_i32 = arith.constant 0 : i32
    %c0_i32_0 = arith.constant 0 : i32
    %c0_i32_1 = arith.constant 0 : i32
    return %c0_i32, %c0_i32_0 : i32, i32
  }
}

module attributes {stable_mosaic.version = 14 : i64} {
  func.func @_moe_kernel(%arg0: i32, %arg1: i32, %arg2: memref<24xi32, #tpu.memory_space<smem>>, %arg3: memref<24xi32, #tpu.memory_space<smem>>, %arg4: memref<256x1xi32, #tpu.memory_space<vmem>>, %arg5: memref<1x1x256xi32, #tpu.memory_space<vmem>>, %arg6: memref<256x1xf32, #tpu.memory_space<vmem>>, %arg7: memref<2048x1024xbf16, #tpu.memory_space<vmem>>, %arg8: memref<1x1024x4096xbf16, #tpu.memory_space<vmem>>, %arg9: memref<1x1x4096xf32, #tpu.memory_space<vmem>>, %arg10: memref<1x4096x1024xbf16, #tpu.memory_space<vmem>>, %arg11: memref<1x1x1024xf32, #tpu.memory_space<vmem>>, %arg12: memref<2048x1024xf32, #tpu.memory_space<vmem>>, %arg13: memref<256x1024xbf16, #tpu.memory_space<vmem>>, %arg14: memref<256x1024xf32, #tpu.memory_space<vmem>>) attributes {dimension_semantics = [#tpu.dimension_semantics<arbitrary>, #tpu.dimension_semantics<arbitrary>], iteration_bounds = array<i64: 24, 1>, scalar_prefetch = 2 : i64, scratch_operands = 2 : i64, tpu.core_type = #tpu.core_type<tc>, window_params = [{transform_indices = @transform_0, window_bounds = array<i64: 256, 1>}, {transform_indices = @transform_1, window_bounds = array<i64: 1, 1, 256>}, {transform_indices = @transform_2, window_bounds = array<i64: 256, 1>}, {pipeline_mode = #tpu.pipeline_mode<synchronous>, transform_indices = @transform_3, window_bounds = array<i64: 2048, 1024>}, {transform_indices = @transform_4, window_bounds = array<i64: 1, 1024, 4096>}, {transform_indices = @transform_5, window_bounds = array<i64: 1, 1, 4096>}, {transform_indices = @transform_6, window_bounds = array<i64: 1, 4096, 1024>}, {transform_indices = @transform_7, window_bounds = array<i64: 1, 1, 1024>}, {pipeline_mode = #tpu.pipeline_mode<synchronous>, transform_indices = @transform_8, window_bounds = array<i64: 2048, 1024>}]} {
    %eq3A = arith.constant 0 : i32
    %eq3A_0 = arith.cmpi eq, %arg0, %eq3A : i32
    %eq3A_1 = arith.constant 0 : i32
    %eq3A_2 = arith.cmpi eq, %arg1, %eq3A_1 : i32
    %and3A = arith.andi %eq3A_0, %eq3A_2 : i1
    %convert_element_type3A = arith.extui %and3A : i1 to i32
    %cond3A = arith.constant 0 : i32
    %cond3A_3 = arith.cmpi ne, %convert_element_type3A, %cond3A : i32
    scf.if %cond3A_3 {
      %broadcast_in_dim3A = arith.constant 0.000000e+00 : f32
      %broadcast_in_dim3A_21 = vector.broadcast %broadcast_in_dim3A : f32 to vector<2048x1024xf32>
      %swap3A = arith.constant 0 : index
      %swap3A_22 = arith.constant 0 : index
      %swap3A_23 = vector.load %arg12[%swap3A, %swap3A_22] : memref<2048x1024xf32, #tpu.memory_space<vmem>>, vector<2048x1024xf32>
      tpu.vector_store %arg12[%swap3A, %swap3A_22], %broadcast_in_dim3A_21 {strides = array<i32>} : memref<2048x1024xf32, #tpu.memory_space<vmem>>, vector<2048x1024xf32>,
    } else {
    }
    %get3A = arith.index_cast %arg0 : i32 to index
    %get3A_4 = memref.load %arg3[%get3A] : memref<24xi32, #tpu.memory_space<smem>>
    %gt3A = arith.constant 0 : i32
    %gt3A_5 = arith.cmpi sgt, %get3A_4, %gt3A : i32
    %eq3A_6 = arith.constant 0 : i32
    %eq3A_7 = arith.cmpi eq, %arg1, %eq3A_6 : i32
    %and3A_8 = arith.andi %gt3A_5, %eq3A_7 : i1
    %convert_element_type3A_9 = arith.extui %and3A_8 : i1 to i32
    %cond3A_10 = arith.constant 0 : i32
    %cond3A_11 = arith.cmpi ne, %convert_element_type3A_9, %cond3A_10 : i32
    scf.if %cond3A_11 {
      %iota3A = tpu.iota {dimensions = array<i32: 1>} : vector<256x2048xi32>
      %get3A_21 = arith.constant 0 : index
      %get3A_22 = arith.constant 0 : index
      %get3A_23 = vector.load %arg4[%get3A_21, %get3A_22] : memref<256x1xi32, #tpu.memory_space<vmem>>, vector<256x1xi32>
      %eq3A_24 = vector.broadcast %get3A_23 : vector<256x1xi32> to vector<256x2048xi32>
      %eq3A_25 = arith.cmpi eq, %iota3A, %eq3A_24 : vector<256x2048xi32>
      %convert_element_type3A_26 = arith.extui %eq3A_25 : vector<256x2048xi1> to vector<256x2048xi32>
      %convert_element_type3A_27 = arith.sitofp %convert_element_type3A_26 : vector<256x2048xi32> to vector<256x2048xf32>
      %convert_element_type3A_28 = arith.truncf %convert_element_type3A_27 : vector<256x2048xf32> to vector<256x2048xbf16>
      %get3A_29 = arith.constant 0 : index
      %get3A_30 = arith.constant 0 : index
      %get3A_31 = vector.load %arg7[%get3A_29, %get3A_30] : memref<2048x1024xbf16, #tpu.memory_space<vmem>>, vector<2048x1024xbf16>
      %dot_general3A = arith.constant dense<0.000000e+00> : vector<256x1024xf32>
      %dot_general3A_32 = tpu.matmul %convert_element_type3A_28, %get3A_31, %dot_general3A {dimension_numbers = #tpu.dot_dimension_numbers<[1], [0], [0], [1], [0, 0, 1, 1], [], []>, transpose_lhs_hint = false} : vector<256x2048xbf16>, vector<2048x1024xbf16>, vector<256x1024xf32> -> vector<256x1024xf32>
      %convert_element_type3A_33 = arith.truncf %dot_general3A_32 : vector<256x1024xf32> to vector<256x1024xbf16>
      %swap3A = arith.constant 0 : index
      %swap3A_34 = arith.constant 0 : index
      %swap3A_35 = vector.load %arg13[%swap3A, %swap3A_34] : memref<256x1024xbf16, #tpu.memory_space<vmem>>, vector<256x1024xbf16>
      tpu.vector_store %arg13[%swap3A, %swap3A_34], %convert_element_type3A_33 {strides = array<i32>} : memref<256x1024xbf16, #tpu.memory_space<vmem>>, vector<256x1024xbf16>,
      %get3A_36 = arith.constant 0 : index
      %get3A_37 = arith.constant 0 : index
      %get3A_38 = arith.constant 0 : index
      %get3A_39 = vector.load %arg11[%get3A_36, %get3A_37, %get3A_38] : memref<1x1x1024xf32, #tpu.memory_space<vmem>>, vector<1x1x1024xf32>
      %get3A_40 = vector.shape_cast %get3A_39 : vector<1x1x1024xf32> to vector<1x1024xf32>
      %broadcast_in_dim3A = vector.shape_cast %get3A_40 : vector<1x1024xf32> to vector<1x1024xf32>
      %broadcast_in_dim3A_41 = vector.broadcast %broadcast_in_dim3A : vector<1x1024xf32> to vector<256x1024xf32>
      %swap3A_42 = arith.constant 0 : index
      %swap3A_43 = arith.constant 0 : index
      %swap3A_44 = vector.load %arg14[%swap3A_42, %swap3A_43] : memref<256x1024xf32, #tpu.memory_space<vmem>>, vector<256x1024xf32>
      tpu.vector_store %arg14[%swap3A_42, %swap3A_43], %broadcast_in_dim3A_41 {strides = array<i32>} : memref<256x1024xf32, #tpu.memory_space<vmem>>, vector<256x1024xf32>,
    } else {
    }
    %convert_element_type3A_12 = arith.extui %gt3A_5 : i1 to i32
    %cond3A_13 = arith.constant 0 : i32
    %cond3A_14 = arith.cmpi ne, %convert_element_type3A_12, %cond3A_13 : i32
    scf.if %cond3A_14 {
      %get3A_21 = arith.constant 0 : index
      %get3A_22 = arith.constant 0 : index
      %get3A_23 = vector.load %arg13[%get3A_21, %get3A_22] : memref<256x1024xbf16, #tpu.memory_space<vmem>>, vector<256x1024xbf16>
      %get3A_24 = arith.constant 0 : index
      %get3A_25 = arith.constant 0 : index
      %get3A_26 = arith.constant 0 : index
      %get3A_27 = vector.load %arg8[%get3A_24, %get3A_25, %get3A_26] : memref<1x1024x4096xbf16, #tpu.memory_space<vmem>>, vector<1x1024x4096xbf16>
      %get3A_28 = vector.shape_cast %get3A_27 : vector<1x1024x4096xbf16> to vector<1024x4096xbf16>
      %dot_general3A = arith.constant dense<0.000000e+00> : vector<256x4096xf32>
      %dot_general3A_29 = tpu.matmul %get3A_23, %get3A_28, %dot_general3A {dimension_numbers = #tpu.dot_dimension_numbers<[1], [0], [0], [1], [0, 0, 1, 1], [], []>, transpose_lhs_hint = false} : vector<256x1024xbf16>, vector<1024x4096xbf16>, vector<256x4096xf32> -> vector<256x4096xf32>
      %get3A_30 = arith.constant 0 : index
      %get3A_31 = arith.constant 0 : index
      %get3A_32 = arith.constant 0 : index
      %get3A_33 = vector.load %arg9[%get3A_30, %get3A_31, %get3A_32] : memref<1x1x4096xf32, #tpu.memory_space<vmem>>, vector<1x1x4096xf32>
      %get3A_34 = vector.shape_cast %get3A_33 : vector<1x1x4096xf32> to vector<1x4096xf32>
      %add3A = vector.broadcast %get3A_34 : vector<1x4096xf32> to vector<256x4096xf32>
      %add3A_35 = arith.addf %dot_general3A_29, %add3A : vector<256x4096xf32>
      %max3A = arith.constant 0.000000e+00 : f32
      %max3A_36 = vector.broadcast %max3A : f32 to vector<256x4096xf32>
      %max3A_37 = arith.maximumf %add3A_35, %max3A_36 : vector<256x4096xf32>
      %convert_element_type3A_38 = arith.truncf %max3A_37 : vector<256x4096xf32> to vector<256x4096xbf16>
      %get3A_39 = arith.constant 0 : index
      %get3A_40 = arith.constant 0 : index
      %get3A_41 = vector.load %arg14[%get3A_39, %get3A_40] : memref<256x1024xf32, #tpu.memory_space<vmem>>, vector<256x1024xf32>
      %get3A_42 = arith.constant 0 : index
      %get3A_43 = arith.constant 0 : index
      %get3A_44 = arith.constant 0 : index
      %get3A_45 = vector.load %arg10[%get3A_42, %get3A_43, %get3A_44] : memref<1x4096x1024xbf16, #tpu.memory_space<vmem>>, vector<1x4096x1024xbf16>
      %get3A_46 = vector.shape_cast %get3A_45 : vector<1x4096x1024xbf16> to vector<4096x1024xbf16>
      %dot_general3A_47 = arith.constant dense<0.000000e+00> : vector<256x1024xf32>
      %dot_general3A_48 = tpu.matmul %convert_element_type3A_38, %get3A_46, %dot_general3A_47 {dimension_numbers = #tpu.dot_dimension_numbers<[1], [0], [0], [1], [0, 0, 1, 1], [], []>, transpose_lhs_hint = false} : vector<256x4096xbf16>, vector<4096x1024xbf16>, vector<256x1024xf32> -> vector<256x1024xf32>
      %add3A_49 = arith.addf %get3A_41, %dot_general3A_48 : vector<256x1024xf32>
      %swap3A = arith.constant 0 : index
      %swap3A_50 = arith.constant 0 : index
      %swap3A_51 = vector.load %arg14[%swap3A, %swap3A_50] : memref<256x1024xf32, #tpu.memory_space<vmem>>, vector<256x1024xf32>
      tpu.vector_store %arg14[%swap3A, %swap3A_50], %add3A_49 {strides = array<i32>} : memref<256x1024xf32, #tpu.memory_space<vmem>>, vector<256x1024xf32>,
    } else {
    }
    %eq3A_15 = arith.constant 0 : i32
    %eq3A_16 = arith.cmpi eq, %arg1, %eq3A_15 : i32
    %and3A_17 = arith.andi %gt3A_5, %eq3A_16 : i1
    %convert_element_type3A_18 = arith.extui %and3A_17 : i1 to i32
    %cond3A_19 = arith.constant 0 : i32
    %cond3A_20 = arith.cmpi ne, %convert_element_type3A_18, %cond3A_19 : i32
    scf.if %cond3A_20 {
      %iota3A = tpu.iota {dimensions = array<i32: 0>} : vector<2048x256xi32>
      %get3A_21 = arith.constant 0 : index
      %get3A_22 = arith.constant 0 : index
      %get3A_23 = arith.constant 0 : index
      %get3A_24 = vector.load %arg5[%get3A_21, %get3A_22, %get3A_23] : memref<1x1x256xi32, #tpu.memory_space<vmem>>, vector<1x1x256xi32>
      %get3A_25 = vector.shape_cast %get3A_24 : vector<1x1x256xi32> to vector<1x256xi32>
      %eq3A_26 = vector.broadcast %get3A_25 : vector<1x256xi32> to vector<2048x256xi32>
      %eq3A_27 = arith.cmpi eq, %iota3A, %eq3A_26 : vector<2048x256xi32>
      %convert_element_type3A_28 = arith.extui %eq3A_27 : vector<2048x256xi1> to vector<2048x256xi32>
      %convert_element_type3A_29 = arith.sitofp %convert_element_type3A_28 : vector<2048x256xi32> to vector<2048x256xf32>
      %convert_element_type3A_30 = arith.truncf %convert_element_type3A_29 : vector<2048x256xf32> to vector<2048x256xbf16>
      %get3A_31 = arith.constant 0 : index
      %get3A_32 = arith.constant 0 : index
      %get3A_33 = vector.load %arg14[%get3A_31, %get3A_32] : memref<256x1024xf32, #tpu.memory_space<vmem>>, vector<256x1024xf32>
      %get3A_34 = arith.constant 0 : index
      %get3A_35 = arith.constant 0 : index
      %get3A_36 = vector.load %arg6[%get3A_34, %get3A_35] : memref<256x1xf32, #tpu.memory_space<vmem>>, vector<256x1xf32>
      %mul3A = vector.broadcast %get3A_36 : vector<256x1xf32> to vector<256x1024xf32>
      %mul3A_37 = arith.mulf %get3A_33, %mul3A : vector<256x1024xf32>
      %convert_element_type3A_38 = arith.truncf %mul3A_37 : vector<256x1024xf32> to vector<256x1024xbf16>
      %get3A_39 = arith.constant 0 : index
      %get3A_40 = arith.constant 0 : index
      %get3A_41 = vector.load %arg12[%get3A_39, %get3A_40] : memref<2048x1024xf32, #tpu.memory_space<vmem>>, vector<2048x1024xf32>
      %dot_general3A = arith.constant dense<0.000000e+00> : vector<2048x1024xf32>
      %dot_general3A_42 = tpu.matmul %convert_element_type3A_30, %convert_element_type3A_38, %dot_general3A {dimension_numbers = #tpu.dot_dimension_numbers<[1], [0], [0], [1], [0, 0, 1, 1], [], []>, transpose_lhs_hint = false} : vector<2048x256xbf16>, vector<256x1024xbf16>, vector<2048x1024xf32> -> vector<2048x1024xf32>
      %add3A = arith.addf %get3A_41, %dot_general3A_42 : vector<2048x1024xf32>
      %swap3A = arith.constant 0 : index
      %swap3A_43 = arith.constant 0 : index
      %swap3A_44 = vector.load %arg12[%swap3A, %swap3A_43] : memref<2048x1024xf32, #tpu.memory_space<vmem>>, vector<2048x1024xf32>
      tpu.vector_store %arg12[%swap3A, %swap3A_43], %add3A {strides = array<i32>} : memref<2048x1024xf32, #tpu.memory_space<vmem>>, vector<2048x1024xf32>,
    } else {
    }
    return
  }
  func.func @transform_0(%arg0: i32, %arg1: i32, %arg2: memref<24xi32, #tpu.memory_space<smem>>, %arg3: memref<24xi32, #tpu.memory_space<smem>>) -> (i32, i32) {
    %c0_i32 = arith.constant 0 : i32
    %c0_i32_0 = arith.constant 0 : i32
    return %arg0, %c0_i32 : i32, i32
  }
  func.func @transform_1(%arg0: i32, %arg1: i32, %arg2: memref<24xi32, #tpu.memory_space<smem>>, %arg3: memref<24xi32, #tpu.memory_space<smem>>) -> (i32, i32, i32) {
    %c0_i32 = arith.constant 0 : i32
    %c0_i32_0 = arith.constant 0 : i32
    %c0_i32_1 = arith.constant 0 : i32
    return %arg0, %c0_i32, %c0_i32_0 : i32, i32, i32
  }
  func.func @transform_2(%arg0: i32, %arg1: i32, %arg2: memref<24xi32, #tpu.memory_space<smem>>, %arg3: memref<24xi32, #tpu.memory_space<smem>>) -> (i32, i32) {
    %c0_i32 = arith.constant 0 : i32
    %c0_i32_0 = arith.constant 0 : i32
    return %arg0, %c0_i32 : i32, i32
  }
  func.func @transform_3(%arg0: i32, %arg1: i32, %arg2: memref<24xi32, #tpu.memory_space<smem>>, %arg3: memref<24xi32, #tpu.memory_space<smem>>) -> (i32, i32) {
    %c0_i32 = arith.constant 0 : i32
    %c0_i32_0 = arith.constant 0 : i32
    %c0_i32_1 = arith.constant 0 : i32
    return %c0_i32, %c0_i32_0 : i32, i32
  }
  func.func @transform_4(%arg0: i32, %arg1: i32, %arg2: memref<24xi32, #tpu.memory_space<smem>>, %arg3: memref<24xi32, #tpu.memory_space<smem>>) -> (i32, i32, i32) {
    %get3A = arith.index_cast %arg0 : i32 to index
    %get3A_0 = memref.load %arg2[%get3A] : memref<24xi32, #tpu.memory_space<smem>>
    %c0_i32 = arith.constant 0 : i32
    %c0_i32_1 = arith.constant 0 : i32
    return %get3A_0, %c0_i32, %arg1 : i32, i32, i32
  }
  func.func @transform_5(%arg0: i32, %arg1: i32, %arg2: memref<24xi32, #tpu.memory_space<smem>>, %arg3: memref<24xi32, #tpu.memory_space<smem>>) -> (i32, i32, i32) {
    %get3A = arith.index_cast %arg0 : i32 to index
    %get3A_0 = memref.load %arg2[%get3A] : memref<24xi32, #tpu.memory_space<smem>>
    %c0_i32 = arith.constant 0 : i32
    %c0_i32_1 = arith.constant 0 : i32
    return %get3A_0, %c0_i32, %arg1 : i32, i32, i32
  }
  func.func @transform_6(%arg0: i32, %arg1: i32, %arg2: memref<24xi32, #tpu.memory_space<smem>>, %arg3: memref<24xi32, #tpu.memory_space<smem>>) -> (i32, i32, i32) {
    %get3A = arith.index_cast %arg0 : i32 to index
    %get3A_0 = memref.load %arg2[%get3A] : memref<24xi32, #tpu.memory_space<smem>>
    %c0_i32 = arith.constant 0 : i32
    %c0_i32_1 = arith.constant 0 : i32
    return %get3A_0, %arg1, %c0_i32 : i32, i32, i32
  }
  func.func @transform_7(%arg0: i32, %arg1: i32, %arg2: memref<24xi32, #tpu.memory_space<smem>>, %arg3: memref<24xi32, #tpu.memory_space<smem>>) -> (i32, i32, i32) {
    %get3A = arith.index_cast %arg0 : i32 to index
    %get3A_0 = memref.load %arg2[%get3A] : memref<24xi32, #tpu.memory_space<smem>>
    %c0_i32 = arith.constant 0 : i32
    %c0_i32_1 = arith.constant 0 : i32
    %c0_i32_2 = arith.constant 0 : i32
    return %get3A_0, %c0_i32, %c0_i32_1 : i32, i32, i32
  }
  func.func @transform_8(%arg0: i32, %arg1: i32, %arg2: memref<24xi32, #tpu.memory_space<smem>>, %arg3: memref<24xi32, #tpu.memory_space<smem>>) -> (i32, i32) {
    %c0_i32 = arith.constant 0 : i32
    %c0_i32_0 = arith.constant 0 : i32
    %c0_i32_1 = arith.constant 0 : i32
    return %c0_i32, %c0_i32_0 : i32, i32
  }
}

module attributes {stable_mosaic.version = 14 : i64} {
  func.func @_ln2_lb_kernel(%arg0: i32, %arg1: memref<512x1024xf32, #tpu.memory_space<vmem>>, %arg2: memref<512x1024xf32, #tpu.memory_space<vmem>>, %arg3: memref<1x1024xf32, #tpu.memory_space<vmem>>, %arg4: memref<1x1024xf32, #tpu.memory_space<vmem>>, %arg5: memref<1x8xf32, #tpu.memory_space<vmem>>, %arg6: memref<1x8xf32, #tpu.memory_space<vmem>>, %arg7: memref<512x1024xf32, #tpu.memory_space<vmem>>, %arg8: memref<1x1xf32, #tpu.memory_space<vmem>>) attributes {dimension_semantics = [#tpu.dimension_semantics<arbitrary>], iteration_bounds = array<i64: 4>, scalar_prefetch = 0 : i64, scratch_operands = 0 : i64, tpu.core_type = #tpu.core_type<tc>, window_params = [{transform_indices = @transform_0, window_bounds = array<i64: 512, 1024>}, {transform_indices = @transform_1, window_bounds = array<i64: 512, 1024>}, {pipeline_mode = #tpu.pipeline_mode<synchronous>, transform_indices = @transform_2, window_bounds = array<i64: 1, 1024>}, {pipeline_mode = #tpu.pipeline_mode<synchronous>, transform_indices = @transform_3, window_bounds = array<i64: 1, 1024>}, {pipeline_mode = #tpu.pipeline_mode<synchronous>, transform_indices = @transform_4, window_bounds = array<i64: 1, 8>}, {pipeline_mode = #tpu.pipeline_mode<synchronous>, transform_indices = @transform_5, window_bounds = array<i64: 1, 8>}, {transform_indices = @transform_6, window_bounds = array<i64: 512, 1024>}, {pipeline_mode = #tpu.pipeline_mode<synchronous>, transform_indices = @transform_7, window_bounds = array<i64: 1, 1>}]} {
    %eq3A = arith.constant 0 : i32
    %eq3A_0 = arith.cmpi eq, %arg0, %eq3A : i32
    %convert_element_type3A = arith.extui %eq3A_0 : i1 to i32
    %cond3A = arith.constant 0 : i32
    %cond3A_1 = arith.cmpi ne, %convert_element_type3A, %cond3A : i32
    scf.if %cond3A_1 {
      %get3A_34 = arith.constant 0 : index
      %get3A_35 = arith.constant 0 : index
      %get3A_36 = vector.load %arg5[%get3A_34, %get3A_35] : memref<1x8xf32, #tpu.memory_space<vmem>>, vector<1x8xf32>
      %div3A_37 = arith.constant 4.096000e+03 : f32
      %div3A_38 = vector.broadcast %div3A_37 : f32 to vector<1x8xf32>
      %div3A_39 = arith.divf %get3A_36, %div3A_38 : vector<1x8xf32>
      %get3A_40 = arith.constant 0 : index
      %get3A_41 = arith.constant 0 : index
      %get3A_42 = vector.load %arg6[%get3A_40, %get3A_41] : memref<1x8xf32, #tpu.memory_space<vmem>>, vector<1x8xf32>
      %div3A_43 = arith.constant 2.048000e+03 : f32
      %div3A_44 = vector.broadcast %div3A_43 : f32 to vector<1x8xf32>
      %div3A_45 = arith.divf %get3A_42, %div3A_44 : vector<1x8xf32>
      %broadcast_in_dim3A_46 = arith.constant 8.000000e+00 : f32
      %broadcast_in_dim3A_47 = vector.broadcast %broadcast_in_dim3A_46 : f32 to vector<1x1xf32>
      %mul3A_48 = arith.mulf %div3A_39, %div3A_45 : vector<1x8xf32>
      %reduce_sum3A_49 = vector.shape_cast %mul3A_48 : vector<1x8xf32> to vector<1x1x8xf32>
      %reduce_sum3A_50 = arith.constant dense<0.000000e+00> : vector<1xf32>
      %reduce_sum3A_51 = vector.multi_reduction <add>, %reduce_sum3A_49, %reduce_sum3A_50 [1, 2] : vector<1x1x8xf32> to vector<1xf32>
      %reduce_sum3A_52 = vector.shape_cast %reduce_sum3A_51 : vector<1xf32> to vector<1x1x1xf32>
      %reduce_sum3A_53 = vector.extract %reduce_sum3A_52[0, 0, 0] : f32 from vector<1x1x1xf32>
      %mul3A_54 = vector.broadcast %reduce_sum3A_53 : f32 to vector<1x1xf32>
      %mul3A_55 = arith.mulf %broadcast_in_dim3A_47, %mul3A_54 : vector<1x1xf32>
      %swap3A_56 = arith.constant 0 : index
      %swap3A_57 = arith.constant 0 : index
      %swap3A_58 = vector.load %arg8[%swap3A_56, %swap3A_57] : memref<1x1xf32, #tpu.memory_space<vmem>>, vector<1x1xf32>
      tpu.vector_store %arg8[%swap3A_56, %swap3A_57], %mul3A_55 {strides = array<i32>} : memref<1x1xf32, #tpu.memory_space<vmem>>, vector<1x1xf32>,
    } else {
    }
    %get3A = arith.constant 0 : index
    %get3A_2 = arith.constant 0 : index
    %get3A_3 = vector.load %arg1[%get3A, %get3A_2] : memref<512x1024xf32, #tpu.memory_space<vmem>>, vector<512x1024xf32>
    %get3A_4 = arith.constant 0 : index
    %get3A_5 = arith.constant 0 : index
    %get3A_6 = vector.load %arg2[%get3A_4, %get3A_5] : memref<512x1024xf32, #tpu.memory_space<vmem>>, vector<512x1024xf32>
    %add3A = arith.addf %get3A_3, %get3A_6 : vector<512x1024xf32>
    %reduce_sum3A = arith.constant dense<0.000000e+00> : vector<512xf32>
    %reduce_sum3A_7 = vector.multi_reduction <add>, %add3A, %reduce_sum3A [1] : vector<512x1024xf32> to vector<512xf32>
    %broadcast_in_dim3A = vector.shape_cast %reduce_sum3A_7 : vector<512xf32> to vector<512x1xf32>
    %div3A = arith.constant 1.024000e+03 : f32
    %div3A_8 = vector.broadcast %div3A : f32 to vector<512x1xf32>
    %div3A_9 = arith.divf %broadcast_in_dim3A, %div3A_8 : vector<512x1xf32>
    %sub3A = vector.broadcast %div3A_9 : vector<512x1xf32> to vector<512x1024xf32>
    %sub3A_10 = arith.subf %add3A, %sub3A : vector<512x1024xf32>
    %mul3A = arith.mulf %sub3A_10, %sub3A_10 : vector<512x1024xf32>
    %reduce_sum3A_11 = arith.constant dense<0.000000e+00> : vector<512xf32>
    %reduce_sum3A_12 = vector.multi_reduction <add>, %mul3A, %reduce_sum3A_11 [1] : vector<512x1024xf32> to vector<512xf32>
    %broadcast_in_dim3A_13 = vector.shape_cast %reduce_sum3A_12 : vector<512xf32> to vector<512x1xf32>
    %div3A_14 = arith.constant 1.024000e+03 : f32
    %div3A_15 = vector.broadcast %div3A_14 : f32 to vector<512x1xf32>
    %div3A_16 = arith.divf %broadcast_in_dim3A_13, %div3A_15 : vector<512x1xf32>
    %add3A_17 = arith.constant 9.99999974E-6 : f32
    %add3A_18 = vector.broadcast %add3A_17 : f32 to vector<512x1xf32>
    %add3A_19 = arith.addf %div3A_16, %add3A_18 : vector<512x1xf32>
    %rsqrt3A = math.rsqrt %add3A_19 : vector<512x1xf32>
    %mul3A_20 = vector.broadcast %rsqrt3A : vector<512x1xf32> to vector<512x1024xf32>
    %mul3A_21 = arith.mulf %sub3A_10, %mul3A_20 : vector<512x1024xf32>
    %get3A_22 = arith.constant 0 : index
    %get3A_23 = arith.constant 0 : index
    %get3A_24 = vector.load %arg3[%get3A_22, %get3A_23] : memref<1x1024xf32, #tpu.memory_space<vmem>>, vector<1x1024xf32>
    %mul3A_25 = vector.broadcast %get3A_24 : vector<1x1024xf32> to vector<512x1024xf32>
    %mul3A_26 = arith.mulf %mul3A_21, %mul3A_25 : vector<512x1024xf32>
    %get3A_27 = arith.constant 0 : index
    %get3A_28 = arith.constant 0 : index
    %get3A_29 = vector.load %arg4[%get3A_27, %get3A_28] : memref<1x1024xf32, #tpu.memory_space<vmem>>, vector<1x1024xf32>
    %add3A_30 = vector.broadcast %get3A_29 : vector<1x1024xf32> to vector<512x1024xf32>
    %add3A_31 = arith.addf %mul3A_26, %add3A_30 : vector<512x1024xf32>
    %swap3A = arith.constant 0 : index
    %swap3A_32 = arith.constant 0 : index
    %swap3A_33 = vector.load %arg7[%swap3A, %swap3A_32] : memref<512x1024xf32, #tpu.memory_space<vmem>>, vector<512x1024xf32>
    tpu.vector_store %arg7[%swap3A, %swap3A_32], %add3A_31 {strides = array<i32>} : memref<512x1024xf32, #tpu.memory_space<vmem>>, vector<512x1024xf32>,
    return
  }
  func.func @transform_0(%arg0: i32) -> (i32, i32) {
    %c0_i32 = arith.constant 0 : i32
    %c0_i32_0 = arith.constant 0 : i32
    return %arg0, %c0_i32 : i32, i32
  }
  func.func @transform_1(%arg0: i32) -> (i32, i32) {
    %c0_i32 = arith.constant 0 : i32
    %c0_i32_0 = arith.constant 0 : i32
    return %arg0, %c0_i32 : i32, i32
  }
  func.func @transform_2(%arg0: i32) -> (i32, i32) {
    %c0_i32 = arith.constant 0 : i32
    %c0_i32_0 = arith.constant 0 : i32
    %c0_i32_1 = arith.constant 0 : i32
    return %c0_i32, %c0_i32_0 : i32, i32
  }
  func.func @transform_3(%arg0: i32) -> (i32, i32) {
    %c0_i32 = arith.constant 0 : i32
    %c0_i32_0 = arith.constant 0 : i32
    %c0_i32_1 = arith.constant 0 : i32
    return %c0_i32, %c0_i32_0 : i32, i32
  }
  func.func @transform_4(%arg0: i32) -> (i32, i32) {
    %c0_i32 = arith.constant 0 : i32
    %c0_i32_0 = arith.constant 0 : i32
    %c0_i32_1 = arith.constant 0 : i32
    return %c0_i32, %c0_i32_0 : i32, i32
  }
  func.func @transform_5(%arg0: i32) -> (i32, i32) {
    %c0_i32 = arith.constant 0 : i32
    %c0_i32_0 = arith.constant 0 : i32
    %c0_i32_1 = arith.constant 0 : i32
    return %c0_i32, %c0_i32_0 : i32, i32
  }
  func.func @transform_6(%arg0: i32) -> (i32, i32) {
    %c0_i32 = arith.constant 0 : i32
    %c0_i32_0 = arith.constant 0 : i32
    return %arg0, %c0_i32 : i32, i32
  }
  func.func @transform_7(%arg0: i32) -> (i32, i32) {
    %c0_i32 = arith.constant 0 : i32
    %c0_i32_0 = arith.constant 0 : i32
    %c0_i32_1 = arith.constant 0 : i32
    return %c0_i32, %c0_i32_0 : i32, i32
  }
}

</mosaic_0001>

<sc_bundles>
// kernel: gather_offload_async_start
scs
__scs_entry_jumppad:
0x0: {  	(pc) =	sbr.rel $0x88, $3  }
0x1: {  	(tag) =	ssettag $0x0;
	lr =	simm.s32 $0x1  }
0x2: {  	[smem:$0x3F8E] =	sst lr;
	_ =	strace $0xD0000000  }
0x3: {  	_ = 	snop  }
0x4: {  	_ = 	snop  }
0x5: {  	_ = 	snop  }
0x6: {  	_ = 	snop  }
0x7: {  	_ = 	snop  }
__scs_overlays_trampoline_lowered:
0x8: {  	[smem:$0x3F9D] =	sst s0  }
0x9: {  	[smem:$0x3F9E] =	sst s1  }
0xa: {  	[smem:$0x3F9F] =	sst s2  }
0xb: {  	[smem:$0x3FA0] =	sst s3  }
0xc: {  	[smem:$0x3FA1] =	sst s4  }
0xd: {  	[smem:$0x3FA2] =	sst s5  }
0xe: {  	[smem:$0x3FA3] =	sst s6  }
0xf: {  	[smem:$0x3FA4] =	sst s7  }
0x10: {  	[smem:$0x3FA5] =	sst s8  }
0x11: {  	[smem:$0x3FA6] =	sst s9;
	s0 =	simm.s32 @!p0 $0x0  }
0x12: {  	s1 =	sld [smem:$0x3F8C];
	s0 =	simm.s32 @p0 $0x1  }
0x13: {  	[smem:$0x3FA7] =	sst s0;
	s0 =	simm.s32 @!p1 $0x0  }
0x14: {  	s2 =	sld [smem:$0x3F8B];
	s0 =	simm.s32 @p1 $0x1  }
0x15: {  	[smem:$0x3FA8] =	sst s0;
	s0 =	simm.s32 @!p2 $0x0  }
0x16: {  	s3 =	sld [smem:$0x3FDB];
	s0 =	simm.s32 @p2 $0x1  }
0x17: {  	s4 =	simm.s32 $0x1BF5;
	[smem:$0x3FAA] =	sst s0  }
0x18: {  	s0 =	sld [smem:$0x3F8D];
	_ =	swait.ge [sflag:s4], $0x0  }
0x19: {  	s7 =	sld [smem:$0x3F8E]  }
0x1a: {  	s8 =	sadd.s32 $0xFFFFE003, lr  }
0x1b: {  	s9 =	sadd.s32 $0xFFFFFEF7, lr;
	s5 =	simm.s32 $0xFFFFFFFF;
	p2 =	slt.u32 s8, $0xFFFFF086  }
0x1c: {  	p1 =	slt.u32 s9, $0xF7A;
	s5 =	simm.s32 @!p2 $0x0  }
0x1d: {  	s5 =	simm.s32 @p1 $0x1;
	p0 =	seq.s32 s7, s2  }
0x1e: {  	s7 =	smul.u32 @!p0 $0xF7A, s2;
	p2 =	seq.s32 @!p0 s5, $0x0  }
0x1f: {  	s9 =	smul.u32 $0xF7A, s1;
	s8 =	simm.s32 @!p0 $0x1BF5;
	p2 =	por !p2, p0  }
0x20: {  	[sflag:s8] =	ssyncset.s32 @!p0 $0xFFFFF086;
	s6 =	sadd.s32 @!p0 s3, s7;
	s7 =	simm.s32 @!p0 $0x108  }
0x21: {  	s3 =	sadd.s32 s3, s9;
	s6 =	sadd.s32 @!p0 $0x88, s6;
	s7 =	simm.s32 @p2 $0x1082  }
0x22: {  	[simem:s7], [sflag:s8] =	dma.local @!p0 [hbm:s6], $0xF7A  }
0x23: {  	s9 =	sor.u32 $0xD0000000, s2;
	s6 =	simm.s32 $0x108;
	_ =	swait.ge @!p0 [sflag:s8], $0x0  }
0x24: {  	s3 =	sadd.s32 $0x88, s3;
	s6 =	simm.s32 @!p1 $0x1082;
	[sflag:s4] =	ssyncset.s32 $0xFFFFF086  }
0x25: {  	[simem:s6], [sflag:s4] =	dma.local [hbm:s3], $0xF7A  }
0x26: {  	[smem:$0x3F8E] =	sst s1;
	(tag) =	ssettag s2;
	_ =	strace s9  }
0x27: {  	s1 =	sld [smem:$0x3F9E]  }
0x28: {  	s2 =	sld [smem:$0x3F9F]  }
0x29: {  	s4 =	sld [smem:$0x3FA1]  }
0x2a: {  	p0 =	seq.s32 s5, $0x0;
	s5 =	sld [smem:$0x3FA2]  }
0x2b: {  	s6 =	sld [smem:$0x3FA3]  }
0x2c: {  	s7 =	sld [smem:$0x3FA4]  }
0x2d: {  	s3 =	simm.s32 $0x108;
	s8 =	sld [smem:$0x3FA5]  }
0x2e: {  	s3 =	simm.s32 @!p0 $0x1082;
	s9 =	sld [smem:$0x3FA6]  }
0x2f: {  	lr =	sadd.s32 s0, s3;
	s0 =	sld [smem:$0x3F9D]  }
0x30: {  	s3 =	sld [smem:$0x3FA0]  }
0x31: {  	[smem:$0x3FA9] =	sst s10  }
0x32: {  	s10 =	sld [smem:$0x3FA7];
	_ =	sdelay $0x3  }
0x33: {  	p0 =	seq.s32 s10, $0x1;
	s10 =	sld [smem:$0x3FA9];
	_ =	sdelay $0x3  }
0x34: {  	[smem:$0x3FA9] =	sst s10  }
0x35: {  	s10 =	sld [smem:$0x3FA8];
	_ =	sdelay $0x3  }
0x36: {  	p1 =	seq.s32 s10, $0x1;
	s10 =	sld [smem:$0x3FA9];
	_ =	sdelay $0x3  }
0x37: {  	[smem:$0x3FA9] =	sst s10  }
0x38: {  	s10 =	sld [smem:$0x3FAA]  }
0x39: {  	_ = 	snop;
	(pc) =	sbr.ind lr, $3  }
0x3a: {  	_ = 	snop  }
0x3b: {  	_ = 	snop  }
0x3c: {  	p2 =	seq.s32 s10, $0x1;
	s10 =	sld [smem:$0x3FA9]  }
0x3d: {  	_ =	shalt  }
0x3e: {  	_ =	shalt  }
0x3f: {  	_ =	shalt  }
0x40: {  	_ =	shalt  }
0x41: {  	_ =	shalt  }
0x42: {  	_ =	shalt  }
0x43: {  	_ =	shalt  }
0x44: {  	_ =	shalt  }
0x45: {  	_ =	shalt  }
0x46: {  	_ =	shalt  }
0x47: {  	_ =	shalt  }
0x48: {  	_ =	shalt  }
0x49: {  	_ =	shalt  }
0x4a: {  	_ =	shalt  }
0x4b: {  	_ =	shalt  }
0x4c: {  	_ =	shalt  }
0x4d: {  	_ =	shalt  }
0x4e: {  	_ =	shalt  }
0x4f: {  	_ =	shalt  }
0x50: {  	_ =	shalt  }
0x51: {  	_ =	shalt  }
0x52: {  	_ =	shalt  }
0x53: {  	_ =	shalt  }
0x54: {  	_ =	shalt  }
0x55: {  	_ =	shalt  }
0x56: {  	_ =	shalt  }
0x57: {  	_ =	shalt  }
0x58: {  	_ =	shalt  }
0x59: {  	_ =	shalt  }
0x5a: {  	_ =	shalt  }
0x5b: {  	_ =	shalt  }
0x5c: {  	_ =	shalt  }
0x5d: {  	_ =	shalt  }
0x5e: {  	_ =	shalt  }
0x5f: {  	_ =	shalt  }
0x60: {  	_ =	shalt  }
0x61: {  	_ =	shalt  }
0x62: {  	_ =	shalt  }
0x63: {  	_ =	shalt  }
0x64: {  	_ =	shalt  }
0x65: {  	_ =	shalt  }
0x66: {  	_ =	shalt  }
0x67: {  	_ =	shalt  }
0x68: {  	_ =	shalt  }
0x69: {  	_ =	shalt  }
0x6a: {  	_ =	shalt  }
0x6b: {  	_ =	shalt  }
0x6c: {  	_ =	shalt  }
0x6d: {  	_ =	shalt  }
0x6e: {  	_ =	shalt  }
0x6f: {  	_ =	shalt  }
0x70: {  	_ =	shalt  }
0x71: {  	_ =	shalt  }
0x72: {  	_ =	shalt  }
0x73: {  	_ =	shalt  }
0x74: {  	_ =	shalt  }
0x75: {  	_ =	shalt  }
0x76: {  	_ =	shalt  }
0x77: {  	_ =	shalt  }
0x78: {  	_ =	shalt  }
0x79: {  	_ =	shalt  }
0x7a: {  	_ =	shalt  }
0x7b: {  	_ =	shalt  }
0x7c: {  	_ =	shalt  }
0x7d: {  	_ =	shalt  }
0x7e: {  	_ =	shalt  }
0x7f: {  	_ =	shalt  }
0x80: {  	_ =	shalt  }
0x81: {  	_ =	shalt  }
0x82: {  	_ =	shalt  }
0x83: {  	_ =	shalt  }
0x84: {  	_ =	shalt  }
0x85: {  	_ =	shalt  }
0x86: {  	_ =	shalt  }
0x87: {  	_ =	shalt  }
.Lfunc_end0:
.L_simem_size_0:
called_computation_lowered:
.L_overlay_start_0:
0x88: {  	s2 =	sld [smem:$0x3FD9]  }
0x89: {  	s3 =	sld [smem:$0x3FFE];
	_ =	sdelay $0x1  }
0x8a: {  	s1 =	srdreg.scid  }
0x8b: {  	s0 =	sand.u32 $0x1, s1  }
0x8c: {  	s16 =	sshll.u32 s0, $0xA;
	s2 =	sadd.s32 s3, s2  }
0x8d: {  	s2 =	sadd.s32 s2, s16  }
0x8e: {  	[smem:$0x3FB5] =	sst s2  }
0x8f: {  	_ = 	snop  }
0x90: {  	(tm) =	ssettm $0x1  }
0x91: {  	s17 =	sld [smem:$0x3FFB];
	_ =	sdelay $0x3  }
0x92: {  	_ =	strace s17  }
0x93: {  	s2 =	sld [smem:$0x3FFC];
	_ =	sdelay $0x3  }
0x94: {  	_ =	strace s2  }
0x95: {  	s2 =	sld [smem:$0x3FFD];
	_ =	sdelay $0x3  }
0x96: {  	_ =	strace s2  }
0x97: {  	_ =	strace $0x8FFFFFFF  }
0x98: {  	s18 =	sld [smem:$0x3FDB];
	_ =	sdelay $0x1  }
0x99: {  	s19 =	simm.s32 $_scs_section_size  }
0x9a: {  	s4 =	simm.s32 $_size__tile_overlayer_lowered;
	s5 =	simm.s32 $_tile_overlayer_lowered  }
0x9b: {  	s22 =	simm.s32 $0x1BFF;
	s21 =	sshll.u32 s5, $0x1;
	s2 =	sadd.s32 s19, s18  }
0x9c: {  	s6 =	simm.s32 $0x0;
	s20 =	sshll.u32 s4, $0x1;
	s4 =	sadd.s32 s21, s2  }
0x9d: {  	[timem:s6], [sflag:s22] =	dma.local [hbm:s4], s20  }
0x9e: {  	_ =	swait.ge [sflag:s22], s20  }
0x9f: {  	s3 =	ssub.s32 $0x0, s20;
	[sflag:s22] =	ssyncset.done $0x0  }
0xa0: {  	[sflag:s22] =	ssyncadd.s32 s3;
	_ =	sdelay $0x1  }
0xa1: {  	s23 =	simm.s32 $0x1B8B  }
0xa2: {  	_ =	swait.ge [sflag:s23], $0x1  }
0xa3: {  	[sflag:s23] =	ssyncset.done $0x0  }
0xa4: {  	s25 =	simm.s32 $0x1B8E;
	s24 =	sld [smem:$0x3FFE];
	[sflag:s23] =	ssyncadd.s32 $0xFFFFFFFF  }
0xa5: {  	s26 =	simm.s32 $execute0_lowered;
	[smem:$0x3FD2] =	sst s25  }
0xa6: {  	s4 =	sshll.u32 s26, $0x1;
	_ =	strace $0x80000046;
	[dreg:$0x1] =	wrdreg $0xFFFFFFFF  }
0xa7: {  	s28 =	simm.s32 $_size_execute0_lowered;
	s2 =	sadd.s32 s2, s4;
	[dreg:$0x0] =	wrdreg $0x0  }
0xa8: {  	s4 =	sshll.u32 s28, $0x1;
	[dreg:$0x2] =	wrdreg s2  }
0xa9: {  	[dreg:$0x3] =	wrdreg s4  }
0xaa: {  	[dreg:$0x4] =	wrdreg $0xC0  }
0xab: {  	_ =	task [dreg:s6], $0x5FFFF  }
0xac: {  	[dreg:$0x1] =	wrdreg $0xFFFFFFFF  }
0xad: {  	[dreg:$0x0] =	wrdreg $0x60  }
0xae: {  	[dreg:$0x2] =	wrdreg s24  }
0xaf: {  	[dreg:$0x3] =	wrdreg $0x9  }
0xb0: {  	_ =	task.clear_ibuf [dreg:s6], $0x4FFFF;
	_ =	strace $0x90000046  }
0xb1: {  	s29 =	simm.s32 $0x9;
	_ =	strace $0x80000048  }
0xb2: {  	_ =	swait.ge [sflag:s29], $0x1  }
0xb3: {  	[sflag:s29] =	ssyncadd.s32 $0xFFFFFFFF  }
0xb4: {  	_ =	strace $0x90000048  }
0xb5: {  	_ =	sfence  }
0xb6: {  	s30 =	sld [smem:$0x0];
	_ =	sdelay $0x2  }
0xb7: {  	s31 =	sshll.u32 s1, $0xD;
	s1 =	sshrl.u32 s1, $0x2  }
0xb8: {  	s3 =	sand.u32 $0x4000, s31;
	s1 =	sadd.s32 s1, s30  }
0xb9: {  	s0 =	sor.u32 s3, s0;
	s1 =	sshll.u32 s1, $0x11  }
0xba: {  	s0 =	sor.u32 s1, s0  }
0xbb: {  	s0 =	sadd.s32 $0x8F2B, s0  }
0xbc: {  	[sflag:s0] =	ssyncadd.remote.s32 $0x1  }
0xbd: {  	_ =	sfence.sel $0xFFFF  }
0xbe: {  	[dreg:$0x0] =	wrdreg $0xFFFFFFFF;
	(pc) =	sbr.abs _section_cstart, $3  }
0xbf: {  	[dreg:$0x1] =	wrdreg $0xFFFFFFFF  }
0xc0: {  	_ =	task.clear_ibuf [dreg:s6], $0x2FFFF;
	_ =	strace $0x9FFFFFFF  }
0xc1: {  	(tm) =	ssettm $0x7FFFFFFF  }
tec
execute0_lowered:
.L_overlay_start_1:
0x0: {  	(tag) =	ssettag $0x1  }
0x1: {  	s0 =	srdreg.scid;
	s5 =	rddreg [dreg:$0x0]  }
0x2: {  	s1 =	stileid.u32;
	s6 =	simm.s32 $0x1;
	s9 =	simm.s32 $0x1  }
0x3: {  	s10 =	simm.s32 $0x3;
	s13 =	simm.s32 $0x0;
	s2 =	sshll.u32 s0, $0x6  }
0x4: {  	s12 =	simm.s32 $0x0;
	s3 =	sshll.u32 s1, $0x7;
	s2 =	sand.u32 $0x40, s2  }
0x5: {  	s0 =	rddreg [dreg:$0x1];
	_ =	strace $0x80000047;
	s2 =	sor.u32 s3, s2  }
0x6: {  	s4 =	sadd.s32 $0x20C00, s5;
	[sflag:s6] =	ssyncpa.u1 $0x0;
	s8 =	ssub.s32 $0x1000, s2  }
.Ltmp0:
0x7: {  	s3 =	sadd.s32 $0x21A00, s5;
	s7 =	sand.u32 $0x7C0, s8;
	(pc) =	sbr.rel .LBB2_1-.Ltmp0, $4  }
0x8: {  	s5 =	sadd.s32 $0x21200, s5;
	s11 =	smov.u32 s2;
	p0 =	sne.s32 s7, $0x0  }
0x9: {  	s8 =	sshrl.u32 s8, $0xB;
	s7 =	simm.s32 $0x2;
	s9 =	simm.s32 @!p0 $0x0  }
0xa: {  	[sflag:s7] =	ssyncpa.u1 $0x0;
	p0 =	por $0x0, $0x0;
	s8 =	sadd.s32 s9, s8  }
0xb: {  	vm0 =	vmmov $0xffff;
	[sflag:s10] =	ssyncpa.u1 $0x0;
	s10 =	simm.s32 $0x0;
	s9 =	sadd.s32 $0x1, s8  }
.LBB2_4:
0xc: {  	v1 =	vsel vm1, $0xFFFFFFFF, v1;
	v2 =	vand.u32 $0x7, v2  }
0xd: {  	v2 =	vsel vm1, $0xFFFFFFFF, v2;
	v3 =	vshll.u32 v1, $0x3  }
0xe: {  	v4 =	vand.u32 $0xFFFF8000, v2;
	v3 =	vand.u32 $0xFFFFFC00, v3;
	v2 =	vshll.u32 v2, $0x7  }
0xf: {  	v3 =	vadd.s32 v3, v4;
	v2 =	vand.u32 $0x380, v2  }
0x10: {  	v1 =	vand.u32 $0x7F, v1;
	v2 =	vor.u32 v2, v3  }
0x11: {  	v1 =	vor.u32 v1, v2;
	_ =	sdelay $0x1  }
0x12: {  	(ifvalue) =	ssetifvalue $0x7FFFFFFF;
	s15 =	sadd.s32 $0x10, s15  }
0x13: {  	[tilespmem:s15], [sflag:$0x1] =	stream.indirect_vreg.gather [hbm4b:s3+s10], $0x1, v0, vm0, $0x4038;
	[tilespmem:$0x100] =	vst v63  }
0x14: {  	(ifvalue) =	ssetifvalue $0x7FFFFFFF;
	s15 =	sadd.s32 $0x10, s15  }
0x15: {  	[tilespmem:s15], [sflag:$0x1] =	stream.indirect_vreg.gather [hbm4b:s3+s10], $0x1, v1, vm0, $0x4038;
	[tilespmem:$0x100] =	vst v63  }
0x16: {  	_ =	swait.ge [sflag:s6], $0x40  }
0x17: {  	s30 =	sshrl.u32 s13, $0x3;
	[sflag:s6] =	ssyncset.done $0x0  }
0x18: {  	s31 =	sand.u32 $0x7, s13;
	s15 =	sadd.s32 s5, s30;
	[sflag:s6] =	ssyncadd.s32 $0xFFFFFFC0  }
0x19: {  	[hbm4b:s15+s31] =	stream.linear.scatter [tilespmem:s14], [sflag:$0x3], $0x40, $0x38;
	[tilespmem:$0x100] =	vst v63  }
.LBB2_5:
0x1a: {  	s15 =	sadd.s32 $0x800, s11  }
0x1b: {  	p2 =	sgt.s32 s15, $0xFFF  }
0x1c: {  	s15 =	smov.u32 @p2 s2;
	p2 =	sne.s32 s12, s9  }
.Ltmp1:
0x1d: {  	p1 =	slt.u32 s12, $0x2;
	(pc) =	sbr.rel @!p2 .LBB2_6-.Ltmp1, $4  }
0x1e: {  	s14 =	simm.s32 @!p1 $0x3  }
0x1f: {  	s16 =	sadd.s32 $0x1, s12;
	_ =	swait.ge @!p1 [sflag:s14], $0x40  }
0x20: {  	s13 =	smov.u32 s11;
	p0 =	por !p0, !p0;
	[sflag:s14] =	ssyncset.done @!p1 $0x0  }
0x21: {  	s12 =	smov.u32 s16;
	s11 =	smov.u32 s15;
	[sflag:s14] =	ssyncadd.s32 @!p1 $0xFFFFFFC0  }
.LBB2_1:
0x22: {  	p1 =	sge.u32 s12, s8  }
0x23: {  	s14 =	sxor.u32 @!p1 $0xFFFFFFFF, s12  }
0x24: {  	s31 =	sadd.s32 $0xFFFFFFFF, s12;
	s15 =	sshrl.u32 @!p1 s11, $0x3;
	s14 =	sshll.u32 @!p1 s14, $0x6  }
0x25: {  	s16 =	sand.u32 @!p1 $0x7, s11;
	s15 =	sadd.s32 @!p1 s4, s15;
	s14 =	sand.u32 @!p1 $0x40, s14  }
0x26: {  	[tilespmem:s14], [sflag:$0x2] =	stream.linear.gather @!p1 [hbm4b:s15+s16], $0x40, $0x38;
	[tilespmem:$0x100] =	vst v63  }
0x27: {  	p1 =	sge.u32 s31, s8  }
.Ltmp2:
0x28: {  	_ = 	snop;
	(pc) =	sbr.rel @p1 .LBB2_5-.Ltmp2, $1  }
0x29: {  	_ =	sdelay $0x3  }
0x2a: {  	s14 =	simm.s32 $0x1  }
0x2b: {  	_ =	swait.ge [sflag:s7], $0x40;
	s14 =	simm.s32 @!p0 $0x0  }
0x2c: {  	[sflag:s7] =	ssyncset.done $0x0;
	s14 =	sshll.u32 s14, $0x6  }
0x2d: {  	[sflag:s7] =	ssyncadd.s32 $0xFFFFFFC0;
	(ifvalue) =	ssetifvalue $0x7FFFFFFF;
	v0 =	vld.msk [tilespmem:s14+$0x0 ss:$0x1], $0xffff;
	_ =	sdelay $0x3  }
0x2e: {  	s15 =	sadd.s32 $0x10, s14  }
0x2f: {  	v2 =	vld.msk [tilespmem:s15+$0x0 ss:$0x1], $0xffff;
	vm1 =	veq.s32 v0, $0x80000000;
	v1 =	vand.u32 $0xFFF, v0;
	v0 =	vshrl.u32 v0, $0xC  }
0x30: {  	v1 =	vsel vm1, $0xFFFFFFFF, v1;
	v0 =	vand.u32 $0x7, v0  }
0x31: {  	v0 =	vsel vm1, $0xFFFFFFFF, v0;
	v3 =	vshll.u32 v1, $0x3  }
0x32: {  	v4 =	vand.u32 $0xFFFF8000, v0;
	v3 =	vand.u32 $0xFFFFFC00, v3;
	v0 =	vshll.u32 v0, $0x7  }
0x33: {  	v3 =	vadd.s32 v3, v4;
	v0 =	vand.u32 $0x380, v0  }
0x34: {  	v1 =	vand.u32 $0x7F, v1;
	vm1 =	veq.s32 v2, $0x80000000;
	v0 =	vor.u32 v0, v3  }
0x35: {  	v0 =	vor.u32 v1, v0;
	v1 =	vand.u32 $0xFFF, v2;
	v2 =	vshrl.u32 v2, $0xC  }
0x36: {  	s17 =	sadd.s32 $0x10, s15;
	v1 =	vsel vm1, $0xFFFFFFFF, v1;
	v2 =	vand.u32 $0x7, v2  }
0x37: {  	v3 =	vld.msk [tilespmem:s17+$0x0 ss:$0x1], $0xffff;
	v2 =	vsel vm1, $0xFFFFFFFF, v2;
	v63 =	vshll.u32 v1, $0x3  }
0x38: {  	v5 =	vand.u32 $0xFFFF8000, v2;
	v4 =	vand.u32 $0xFFFFFC00, v63;
	v2 =	vshll.u32 v2, $0x7  }
0x39: {  	s31 =	sshll.u32 s12, $0x6;
	s15 =	sor.u32 $0x80, s14;
	(ifvalue) =	ssetifvalue $0x7FFFFFFF;
	v4 =	vadd.s32 v4, v5;
	v2 =	vand.u32 $0x380, v2  }
0x3a: {  	[tilespmem:s15], [sflag:$0x1] =	stream.indirect_vreg.gather [hbm4b:s3+s10], $0x1, v0, vm0, $0x4038;
	v0 =	vand.u32 $0x7F, v1;
	v1 =	vor.u32 v2, v4;
	[tilespmem:$0x100] =	vst v63  }
0x3b: {  	s14 =	sand.u32 $0x40, s31;
	v0 =	vor.u32 v0, v1  }
0x3c: {  	s16 =	simm.s32 $0x20;
	s14 =	sor.u32 $0x80, s14;
	s17 =	sadd.s32 $0x10, s17;
	vm1 =	veq.s32 v3, $0x80000000;
	v2 =	vshrl.u32 v3, $0xC;
	v1 =	vand.u32 $0xFFF, v3  }
.LBB2_3:
0x3d: {  	v3 =	vld.msk [tilespmem:s17+$0x0 ss:$0x1], $0xffff;
	s16 =	sadd.s32 $0x10, s16;
	v1 =	vsel vm1, $0xFFFFFFFF, v1;
	v2 =	vand.u32 $0x7, v2  }
0x3e: {  	p1 =	slt.u32 s16, $0x30;
	v2 =	vsel vm1, $0xFFFFFFFF, v2;
	v4 =	vshll.u32 v1, $0x3  }
.Ltmp3:
0x3f: {  	s15 =	sadd.s32 $0x10, s15;
	v5 =	vand.u32 $0xFFFF8000, v2;
	v4 =	vand.u32 $0xFFFFFC00, v4;
	v2 =	vshll.u32 v2, $0x7;
	(ifvalue) =	ssetifvalue $0x7FFFFFFF;
	(pc) =	sbr.rel @p1 .LBB2_3-.Ltmp3, $4  }
0x40: {  	v4 =	vadd.s32 v4, v5;
	v2 =	vand.u32 $0x380, v2;
	[tilespmem:s15], [sflag:$0x1] =	stream.indirect_vreg.gather [hbm4b:s3+s10], $0x1, v0, vm0, $0x4038;
	[tilespmem:$0x100] =	vst v63  }
0x41: {  	v0 =	vand.u32 $0x7F, v1;
	v1 =	vor.u32 v2, v4  }
0x42: {  	v0 =	vor.u32 v0, v1  }
0x43: {  	s17 =	sadd.s32 $0x10, s17;
	vm1 =	veq.s32 v3, $0x80000000;
	v1 =	vand.u32 $0xFFF, v3;
	v2 =	vshrl.u32 v3, $0xC  }
.Ltmp4:
0x44: {  	_ = 	snop;
	(pc) =	sbr.rel .LBB2_4-.Ltmp4, $1  }
0x45: {  	_ =	sdelay $0x3  }
.LBB2_6:
0x46: {  	_ =	sfence.sel $0x180000  }
0x47: {  	s2 =	simm.s32 $0x2;
	[bflag:$0x0] =	sbarrier.arrive $0xFFFF  }
0x48: {  	s30 =	simm.s32 $0x3;
	[sflag:s2] =	ssyncpa.u1 $0x1  }
0x49: {  	s31 =	simm.s32 $0x1;
	[sflag:s30] =	ssyncpa.u1 $0x1  }
0x4a: {  	[sflag:s31] =	ssyncpa.u1 $0x1  }
0x4b: {  	p0 =	sne.s32 s1, $0x0;
	_ =	strace $0x90000047  }
0x4c: {  	s0 =	sadd.s32 @!p0 $0x100000, s0;
	[bflag:$0x2] =	sbarrier.arrive $0xFFFF  }
0x4d: {  	[sflag:s0] =	ssyncadd.tile.s32 @!p0 $0x1;
	_ =	shalt  }
.Lfunc_end2:
_tile_overlayer_lowered:
.L_overlay_start_2:
0x4e: {  	(tag) =	ssettag $0x2  }
0x4f: {  	s0 =	rddreg [dreg:$0x0];
	s2 =	stileid.u32  }
0x50: {  	s1 =	rddreg [dreg:$0x1];
	p0 =	sne.s32 s2, $0x0  }
0x51: {  	s3 =	rddreg [dreg:$0x2];
	[bflag:$0x3] =	sbarrier.arrive $0xFFFF;
	s2 =	simm.s32 @!p0 $0x1C01  }
0x52: {  	[timem:s3], [sflag:s2] =	dma.local @!p0 [hbm:s0], s1  }
0x53: {  	s0 =	simm.s32 @!p0 $0x1  }
0x54: {  	_ =	swait.ge @!p0 [sflag:s0], s1  }
0x55: {  	s1 =	ssub.s32 @!p0 $0x0, s1;
	[sflag:s0] =	ssyncset.done @!p0 $0x0  }
0x56: {  	[sflag:s0] =	ssyncadd.s32 @!p0 s1  }
0x57: {  	[bflag:$0x3] =	sbarrier.arrive $0xFFFF  }
0x58: {  	_ =	shalt  }

</sc_bundles>
